<compile_context>
chip_gen: v7x
topology: tpu7x:2x2x1
jax: 0.10.2.dev20260603
libtpu: 0.0.44.dev20260713+nightly
codegen_flags: <defaults>
</compile_context>

<pallas_src>
import jax
import jax.numpy as jnp
from jax import lax
from jax.experimental import pallas as pl
from jax.experimental.pallas import tpu as pltpu
from jax.experimental.pallas import tpu_sc as plsc

NC, NS, L = 2, 16, 16
NW = NC * NS
B, F = 16384, 26
BPW = B // NW
E = BPW * F
NG = BPW // L


def _lr_body(table, idxs, bias1, out, idx_v, vals_v, out_v, bias_v,
             sem_i, sem_g):
    c = lax.axis_index("c")
    s = lax.axis_index("s")
    wid = s * NC + c
    base = wid * BPW

    pltpu.sync_copy(bias1, bias_v.at[pl.ds(0, 1)])
    tbl = table

    idx_cps = [
        pltpu.async_copy(
            idxs.at[pl.ds(f * B + base, BPW)],
            idx_v.at[pl.ds(f * BPW, BPW)],
            sem_i,
        )
        for f in range(F)
    ]
    gat_cps = []
    for f in range(F):
        idx_cps[f].wait()
        gat_cps.append(
            pltpu.async_copy(
                tbl.at[idx_v.at[pl.ds(f * BPW, BPW)]],
                vals_v.at[pl.ds(f * BPW, BPW)],
                sem_g,
            )
        )

    bias_vec = jnp.full((L,), bias_v[...][0], jnp.float32)

    for f in range(F):
        gat_cps[f].wait()
        if f == 0:
            def init_group(g, carry):
                x = vals_v[pl.ds(g * L, L)]
                out_v[pl.ds(g * L, L)] = x + bias_vec
                return carry
            lax.fori_loop(0, NG, init_group, 0)
        else:
            def acc_group(g, carry, f=f):
                x = vals_v[pl.ds(f * BPW + g * L, L)]
                plsc.addupdate(out_v.at[pl.ds(g * L, L)], x)
                return carry
            lax.fori_loop(0, NG, acc_group, 0)

    def sig_group(g, carry):
        x = out_v[pl.ds(g * L, L)]
        x = jnp.clip(x, -30.0, 30.0)
        out_v[pl.ds(g * L, L)] = 1.0 / (1.0 + jnp.exp(-x))
        return carry

    lax.fori_loop(0, NG, sig_group, 0)
    pltpu.sync_copy(out_v, out.at[pl.ds(base, BPW)])


@jax.jit
def _lr_sc(table, idxs, bias1):
    mesh = plsc.VectorSubcoreMesh(core_axis_name="c", subcore_axis_name="s")
    return pl.kernel(
        _lr_body,
        out_type=jax.ShapeDtypeStruct((B,), jnp.float32),
        mesh=mesh,
        scratch_types=[
            pltpu.VMEM((E,), jnp.int32),
            pltpu.VMEM((E,), jnp.float32),
            pltpu.VMEM((BPW,), jnp.float32),
            pltpu.VMEM((L,), jnp.float32),
            pltpu.SemaphoreType.DMA,
            pltpu.SemaphoreType.DMA,
        ],
        compiler_params=pltpu.CompilerParams(
            needs_layout_passes=False, use_tc_tiling_on_sc=False
        ),
    )(table, idxs, bias1)


def kernel(inputs, w, bias):
    idxs = inputs.T.reshape(B * F)
    wlin = w.T.reshape(w.shape[0])
    preds = _lr_sc(wlin, idxs.astype(jnp.int32), bias.astype(jnp.float32))
    return preds.reshape(B, 1)

# --- scband reference (transcript-rebuilt; emitter-appended) ---
"""Pipeline reference for scband-lr-35072702939138 (READ-ONLY COPY).

The authoritative reference and input builder live on the scoring server;
editing this copy changes nothing except your own understanding.
"""

import jax, jax.numpy as jnp
import numpy as np

INPUT_DIM = 1000000
NUM_FIELDS = 26
OUTPUT_DIM = 1
BATCH = 16384

def setup_inputs(seed: int = 0) -> dict:
    key = jax.random.key(seed)
    k_idx, k_w, k_b = jax.random.split(key, 3)
    inputs = jax.random.randint(k_idx, (BATCH, NUM_FIELDS), 0, INPUT_DIM, dtype=jnp.int64 if jax.config.read('jax_enable_x64') else jnp.int32)
    # xavier init for embedding table w: shape [input_dim, 1]
    limit = float(np.sqrt(6.0 / (INPUT_DIM + 1)))
    w = jax.random.uniform(k_w, (INPUT_DIM, 1), minval=-limit, maxval=limit, dtype=jnp.float32)
    bias = jax.random.normal(k_b, (OUTPUT_DIM,), dtype=jnp.float32) * 0.01
    return {"inputs": inputs, "w": w, "bias": bias}

def reference(inputs, w, bias):
    # embedding lookup: [B, F] -> [B, F, 1]
    embed = jnp.take(w, inputs, axis=0)
    # logits = reduce_sum over field axis + bias -> [B, 1]
    logits = jnp.sum(embed, axis=1) + bias
    preds = jax.nn.sigmoid(logits)
    return preds

if __name__ == "__main__":
    import jax
    _d = setup_inputs()
    print(jax.jit(kernel)(*tuple(_d.values())))

</pallas_src>

<mosaic_0001>
#map = affine_map<(d0, d1) -> (0)>
module attributes {stable_mosaic.version = 14 : i64} {
  func.func @_lr_body(%arg0: i32, %arg1: i32, %arg2: memref<1000000xf32, #tpu.memory_space<hbm>>, %arg3: memref<425984xi32, #tpu.memory_space<hbm>>, %arg4: memref<1xf32, #tpu.memory_space<hbm>>, %arg5: memref<16384xf32, #tpu.memory_space<hbm>>, %arg6: memref<13312xi32, #tpu.memory_space<vmem>>, %arg7: memref<13312xf32, #tpu.memory_space<vmem>>, %arg8: memref<512xf32, #tpu.memory_space<vmem>>, %arg9: memref<16xf32, #tpu.memory_space<vmem>>, %arg10: memref<!tpu.dma_semaphore, #tpu.memory_space<semaphore_mem>>, %arg11: memref<!tpu.dma_semaphore, #tpu.memory_space<semaphore_mem>>) attributes {dimension_semantics = [#tpu.dimension_semantics<core_parallel>, #tpu.dimension_semantics<subcore_parallel>], iteration_bounds = array<i64: 2, 16>, scalar_prefetch = 0 : i64, scratch_operands = 6 : i64, tpu.core_type = #tpu.core_type<sc_vector_subcore>, window_params = [{transform_indices = #map}, {transform_indices = #map}, {transform_indices = #map}, {transform_indices = #map}]} {
    %mul3A = arith.constant 2 : i32
    %mul3A_0 = arith.muli %arg1, %mul3A : i32
    %add3A = arith.addi %mul3A_0, %arg0 : i32
    %mul3A_1 = arith.constant 512 : i32
    %mul3A_2 = arith.muli %add3A, %mul3A_1 : i32
    "tpu.region"() ({
      %run_scoped3A = tpu.sem_alloc : memref<!tpu.dma_semaphore, #tpu.memory_space<semaphore_mem>>
      %dma_start3A_839 = arith.constant 0 : i32
      %dma_start3A_840 = tpu.memref_slice %arg9[%dma_start3A_839] : memref<16xf32, #tpu.memory_space<vmem>> -> memref<1xf32, #tpu.memory_space<vmem>>
      %dma_start3A_841 = arith.constant 0 : i32
      %dma_start3A_842 = tpu.memref_slice %arg9[%dma_start3A_841] : memref<16xf32, #tpu.memory_space<vmem>> -> memref<1xf32, #tpu.memory_space<vmem>>
      tpu.enqueue_dma source(%arg4 : memref<1xf32, #tpu.memory_space<hbm>>) target(%dma_start3A_842 : memref<1xf32, #tpu.memory_space<vmem>>) target_semaphore(%run_scoped3A : memref<!tpu.dma_semaphore, #tpu.memory_space<semaphore_mem>>)
      %dma_wait3A_843 = arith.constant 0 : i32
      %dma_wait3A_844 = tpu.memref_slice %arg9[%dma_wait3A_843] : memref<16xf32, #tpu.memory_space<vmem>> -> memref<1xf32, #tpu.memory_space<vmem>>
      %dma_wait3A_845 = arith.constant 0 : i32
      %dma_wait3A_846 = tpu.memref_slice %arg9[%dma_wait3A_845] : memref<16xf32, #tpu.memory_space<vmem>> -> memref<1xf32, #tpu.memory_space<vmem>>
      tpu.wait_dma2 semaphore(%run_scoped3A : memref<!tpu.dma_semaphore, #tpu.memory_space<semaphore_mem>>) src(%arg4 : memref<1xf32, #tpu.memory_space<hbm>>) dst(%dma_wait3A_846 : memref<1xf32, #tpu.memory_space<vmem>>)
      tpu.yield
    }) : () -> ()
    %add3A_3 = arith.constant 0 : i32
    %add3A_4 = arith.addi %add3A_3, %mul3A_2 : i32
    %dma_start3A = arith.constant 0 : i32
    %dma_start3A_5 = tpu.memref_slice %arg6[%dma_start3A] : memref<13312xi32, #tpu.memory_space<vmem>> -> memref<512xi32, #tpu.memory_space<vmem>>
    %dma_start3A_6 = tpu.memref_slice %arg3[%add3A_4] : memref<425984xi32, #tpu.memory_space<hbm>> -> memref<512xi32, #tpu.memory_space<hbm>>
    %dma_start3A_7 = arith.constant 0 : i32
    %dma_start3A_8 = tpu.memref_slice %arg6[%dma_start3A_7] : memref<13312xi32, #tpu.memory_space<vmem>> -> memref<512xi32, #tpu.memory_space<vmem>>
    %dma_start3A_9 = tpu.memref_slice %arg3[%add3A_4] : memref<425984xi32, #tpu.memory_space<hbm>> -> memref<512xi32, #tpu.memory_space<hbm>>
    tpu.enqueue_dma source(%dma_start3A_9 : memref<512xi32, #tpu.memory_space<hbm>>) target(%dma_start3A_8 : memref<512xi32, #tpu.memory_space<vmem>>) target_semaphore(%arg10 : memref<!tpu.dma_semaphore, #tpu.memory_space<semaphore_mem>>)
    %add3A_10 = arith.constant 16384 : i32
    %add3A_11 = arith.addi %add3A_10, %mul3A_2 : i32
    %dma_start3A_12 = arith.constant 512 : i32
    %dma_start3A_13 = tpu.memref_slice %arg6[%dma_start3A_12] : memref<13312xi32, #tpu.memory_space<vmem>> -> memref<512xi32, #tpu.memory_space<vmem>>
    %dma_start3A_14 = tpu.memref_slice %arg3[%add3A_11] : memref<425984xi32, #tpu.memory_space<hbm>> -> memref<512xi32, #tpu.memory_space<hbm>>
    %dma_start3A_15 = arith.constant 512 : i32
    %dma_start3A_16 = tpu.memref_slice %arg6[%dma_start3A_15] : memref<13312xi32, #tpu.memory_space<vmem>> -> memref<512xi32, #tpu.memory_space<vmem>>
    %dma_start3A_17 = tpu.memref_slice %arg3[%add3A_11] : memref<425984xi32, #tpu.memory_space<hbm>> -> memref<512xi32, #tpu.memory_space<hbm>>
    tpu.enqueue_dma source(%dma_start3A_17 : memref<512xi32, #tpu.memory_space<hbm>>) target(%dma_start3A_16 : memref<512xi32, #tpu.memory_space<vmem>>) target_semaphore(%arg10 : memref<!tpu.dma_semaphore, #tpu.memory_space<semaphore_mem>>)
    %add3A_18 = arith.constant 32768 : i32
    %add3A_19 = arith.addi %add3A_18, %mul3A_2 : i32
    %dma_start3A_20 = arith.constant 1024 : i32
    %dma_start3A_21 = tpu.memref_slice %arg6[%dma_start3A_20] : memref<13312xi32, #tpu.memory_space<vmem>> -> memref<512xi32, #tpu.memory_space<vmem>>
    %dma_start3A_22 = tpu.memref_slice %arg3[%add3A_19] : memref<425984xi32, #tpu.memory_space<hbm>> -> memref<512xi32, #tpu.memory_space<hbm>>
    %dma_start3A_23 = arith.constant 1024 : i32
    %dma_start3A_24 = tpu.memref_slice %arg6[%dma_start3A_23] : memref<13312xi32, #tpu.memory_space<vmem>> -> memref<512xi32, #tpu.memory_space<vmem>>
    %dma_start3A_25 = tpu.memref_slice %arg3[%add3A_19] : memref<425984xi32, #tpu.memory_space<hbm>> -> memref<512xi32, #tpu.memory_space<hbm>>
    tpu.enqueue_dma source(%dma_start3A_25 : memref<512xi32, #tpu.memory_space<hbm>>) target(%dma_start3A_24 : memref<512xi32, #tpu.memory_space<vmem>>) target_semaphore(%arg10 : memref<!tpu.dma_semaphore, #tpu.memory_space<semaphore_mem>>)
    %add3A_26 = arith.constant 49152 : i32
    %add3A_27 = arith.addi %add3A_26, %mul3A_2 : i32
    %dma_start3A_28 = arith.constant 1536 : i32
    %dma_start3A_29 = tpu.memref_slice %arg6[%dma_start3A_28] : memref<13312xi32, #tpu.memory_space<vmem>> -> memref<512xi32, #tpu.memory_space<vmem>>
    %dma_start3A_30 = tpu.memref_slice %arg3[%add3A_27] : memref<425984xi32, #tpu.memory_space<hbm>> -> memref<512xi32, #tpu.memory_space<hbm>>
    %dma_start3A_31 = arith.constant 1536 : i32
    %dma_start3A_32 = tpu.memref_slice %arg6[%dma_start3A_31] : memref<13312xi32, #tpu.memory_space<vmem>> -> memref<512xi32, #tpu.memory_space<vmem>>
    %dma_start3A_33 = tpu.memref_slice %arg3[%add3A_27] : memref<425984xi32, #tpu.memory_space<hbm>> -> memref<512xi32, #tpu.memory_space<hbm>>
    tpu.enqueue_dma source(%dma_start3A_33 : memref<512xi32, #tpu.memory_space<hbm>>) target(%dma_start3A_32 : memref<512xi32, #tpu.memory_space<vmem>>) target_semaphore(%arg10 : memref<!tpu.dma_semaphore, #tpu.memory_space<semaphore_mem>>)
    %add3A_34 = arith.constant 65536 : i32
    %add3A_35 = arith.addi %add3A_34, %mul3A_2 : i32
    %dma_start3A_36 = arith.constant 2048 : i32
    %dma_start3A_37 = tpu.memref_slice %arg6[%dma_start3A_36] : memref<13312xi32, #tpu.memory_space<vmem>> -> memref<512xi32, #tpu.memory_space<vmem>>
    %dma_start3A_38 = tpu.memref_slice %arg3[%add3A_35] : memref<425984xi32, #tpu.memory_space<hbm>> -> memref<512xi32, #tpu.memory_space<hbm>>
    %dma_start3A_39 = arith.constant 2048 : i32
    %dma_start3A_40 = tpu.memref_slice %arg6[%dma_start3A_39] : memref<13312xi32, #tpu.memory_space<vmem>> -> memref<512xi32, #tpu.memory_space<vmem>>
    %dma_start3A_41 = tpu.memref_slice %arg3[%add3A_35] : memref<425984xi32, #tpu.memory_space<hbm>> -> memref<512xi32, #tpu.memory_space<hbm>>
    tpu.enqueue_dma source(%dma_start3A_41 : memref<512xi32, #tpu.memory_space<hbm>>) target(%dma_start3A_40 : memref<512xi32, #tpu.memory_space<vmem>>) target_semaphore(%arg10 : memref<!tpu.dma_semaphore, #tpu.memory_space<semaphore_mem>>)
    %add3A_42 = arith.constant 81920 : i32
    %add3A_43 = arith.addi %add3A_42, %mul3A_2 : i32
    %dma_start3A_44 = arith.constant 2560 : i32
    %dma_start3A_45 = tpu.memref_slice %arg6[%dma_start3A_44] : memref<13312xi32, #tpu.memory_space<vmem>> -> memref<512xi32, #tpu.memory_space<vmem>>
    %dma_start3A_46 = tpu.memref_slice %arg3[%add3A_43] : memref<425984xi32, #tpu.memory_space<hbm>> -> memref<512xi32, #tpu.memory_space<hbm>>
    %dma_start3A_47 = arith.constant 2560 : i32
    %dma_start3A_48 = tpu.memref_slice %arg6[%dma_start3A_47] : memref<13312xi32, #tpu.memory_space<vmem>> -> memref<512xi32, #tpu.memory_space<vmem>>
    %dma_start3A_49 = tpu.memref_slice %arg3[%add3A_43] : memref<425984xi32, #tpu.memory_space<hbm>> -> memref<512xi32, #tpu.memory_space<hbm>>
    tpu.enqueue_dma source(%dma_start3A_49 : memref<512xi32, #tpu.memory_space<hbm>>) target(%dma_start3A_48 : memref<512xi32, #tpu.memory_space<vmem>>) target_semaphore(%arg10 : memref<!tpu.dma_semaphore, #tpu.memory_space<semaphore_mem>>)
    %add3A_50 = arith.constant 98304 : i32
    %add3A_51 = arith.addi %add3A_50, %mul3A_2 : i32
    %dma_start3A_52 = arith.constant 3072 : i32
    %dma_start3A_53 = tpu.memref_slice %arg6[%dma_start3A_52] : memref<13312xi32, #tpu.memory_space<vmem>> -> memref<512xi32, #tpu.memory_space<vmem>>
    %dma_start3A_54 = tpu.memref_slice %arg3[%add3A_51] : memref<425984xi32, #tpu.memory_space<hbm>> -> memref<512xi32, #tpu.memory_space<hbm>>
    %dma_start3A_55 = arith.constant 3072 : i32
    %dma_start3A_56 = tpu.memref_slice %arg6[%dma_start3A_55] : memref<13312xi32, #tpu.memory_space<vmem>> -> memref<512xi32, #tpu.memory_space<vmem>>
    %dma_start3A_57 = tpu.memref_slice %arg3[%add3A_51] : memref<425984xi32, #tpu.memory_space<hbm>> -> memref<512xi32, #tpu.memory_space<hbm>>
    tpu.enqueue_dma source(%dma_start3A_57 : memref<512xi32, #tpu.memory_space<hbm>>) target(%dma_start3A_56 : memref<512xi32, #tpu.memory_space<vmem>>) target_semaphore(%arg10 : memref<!tpu.dma_semaphore, #tpu.memory_space<semaphore_mem>>)
    %add3A_58 = arith.constant 114688 : i32
    %add3A_59 = arith.addi %add3A_58, %mul3A_2 : i32
    %dma_start3A_60 = arith.constant 3584 : i32
    %dma_start3A_61 = tpu.memref_slice %arg6[%dma_start3A_60] : memref<13312xi32, #tpu.memory_space<vmem>> -> memref<512xi32, #tpu.memory_space<vmem>>
    %dma_start3A_62 = tpu.memref_slice %arg3[%add3A_59] : memref<425984xi32, #tpu.memory_space<hbm>> -> memref<512xi32, #tpu.memory_space<hbm>>
    %dma_start3A_63 = arith.constant 3584 : i32
    %dma_start3A_64 = tpu.memref_slice %arg6[%dma_start3A_63] : memref<13312xi32, #tpu.memory_space<vmem>> -> memref<512xi32, #tpu.memory_space<vmem>>
    %dma_start3A_65 = tpu.memref_slice %arg3[%add3A_59] : memref<425984xi32, #tpu.memory_space<hbm>> -> memref<512xi32, #tpu.memory_space<hbm>>
    tpu.enqueue_dma source(%dma_start3A_65 : memref<512xi32, #tpu.memory_space<hbm>>) target(%dma_start3A_64 : memref<512xi32, #tpu.memory_space<vmem>>) target_semaphore(%arg10 : memref<!tpu.dma_semaphore, #tpu.memory_space<semaphore_mem>>)
    %add3A_66 = arith.constant 131072 : i32
    %add3A_67 = arith.addi %add3A_66, %mul3A_2 : i32
    %dma_start3A_68 = arith.constant 4096 : i32
    %dma_start3A_69 = tpu.memref_slice %arg6[%dma_start3A_68] : memref<13312xi32, #tpu.memory_space<vmem>> -> memref<512xi32, #tpu.memory_space<vmem>>
    %dma_start3A_70 = tpu.memref_slice %arg3[%add3A_67] : memref<425984xi32, #tpu.memory_space<hbm>> -> memref<512xi32, #tpu.memory_space<hbm>>
    %dma_start3A_71 = arith.constant 4096 : i32
    %dma_start3A_72 = tpu.memref_slice %arg6[%dma_start3A_71] : memref<13312xi32, #tpu.memory_space<vmem>> -> memref<512xi32, #tpu.memory_space<vmem>>
    %dma_start3A_73 = tpu.memref_slice %arg3[%add3A_67] : memref<425984xi32, #tpu.memory_space<hbm>> -> memref<512xi32, #tpu.memory_space<hbm>>
    tpu.enqueue_dma source(%dma_start3A_73 : memref<512xi32, #tpu.memory_space<hbm>>) target(%dma_start3A_72 : memref<512xi32, #tpu.memory_space<vmem>>) target_semaphore(%arg10 : memref<!tpu.dma_semaphore, #tpu.memory_space<semaphore_mem>>)
    %add3A_74 = arith.constant 147456 : i32
    %add3A_75 = arith.addi %add3A_74, %mul3A_2 : i32
    %dma_start3A_76 = arith.constant 4608 : i32
    %dma_start3A_77 = tpu.memref_slice %arg6[%dma_start3A_76] : memref<13312xi32, #tpu.memory_space<vmem>> -> memref<512xi32, #tpu.memory_space<vmem>>
    %dma_start3A_78 = tpu.memref_slice %arg3[%add3A_75] : memref<425984xi32, #tpu.memory_space<hbm>> -> memref<512xi32, #tpu.memory_space<hbm>>
    %dma_start3A_79 = arith.constant 4608 : i32
    %dma_start3A_80 = tpu.memref_slice %arg6[%dma_start3A_79] : memref<13312xi32, #tpu.memory_space<vmem>> -> memref<512xi32, #tpu.memory_space<vmem>>
    %dma_start3A_81 = tpu.memref_slice %arg3[%add3A_75] : memref<425984xi32, #tpu.memory_space<hbm>> -> memref<512xi32, #tpu.memory_space<hbm>>
    tpu.enqueue_dma source(%dma_start3A_81 : memref<512xi32, #tpu.memory_space<hbm>>) target(%dma_start3A_80 : memref<512xi32, #tpu.memory_space<vmem>>) target_semaphore(%arg10 : memref<!tpu.dma_semaphore, #tpu.memory_space<semaphore_mem>>)
    %add3A_82 = arith.constant 163840 : i32
    %add3A_83 = arith.addi %add3A_82, %mul3A_2 : i32
    %dma_start3A_84 = arith.constant 5120 : i32
    %dma_start3A_85 = tpu.memref_slice %arg6[%dma_start3A_84] : memref<13312xi32, #tpu.memory_space<vmem>> -> memref<512xi32, #tpu.memory_space<vmem>>
    %dma_start3A_86 = tpu.memref_slice %arg3[%add3A_83] : memref<425984xi32, #tpu.memory_space<hbm>> -> memref<512xi32, #tpu.memory_space<hbm>>
    %dma_start3A_87 = arith.constant 5120 : i32
    %dma_start3A_88 = tpu.memref_slice %arg6[%dma_start3A_87] : memref<13312xi32, #tpu.memory_space<vmem>> -> memref<512xi32, #tpu.memory_space<vmem>>
    %dma_start3A_89 = tpu.memref_slice %arg3[%add3A_83] : memref<425984xi32, #tpu.memory_space<hbm>> -> memref<512xi32, #tpu.memory_space<hbm>>
    tpu.enqueue_dma source(%dma_start3A_89 : memref<512xi32, #tpu.memory_space<hbm>>) target(%dma_start3A_88 : memref<512xi32, #tpu.memory_space<vmem>>) target_semaphore(%arg10 : memref<!tpu.dma_semaphore, #tpu.memory_space<semaphore_mem>>)
    %add3A_90 = arith.constant 180224 : i32
    %add3A_91 = arith.addi %add3A_90, %mul3A_2 : i32
    %dma_start3A_92 = arith.constant 5632 : i32
    %dma_start3A_93 = tpu.memref_slice %arg6[%dma_start3A_92] : memref<13312xi32, #tpu.memory_space<vmem>> -> memref<512xi32, #tpu.memory_space<vmem>>
    %dma_start3A_94 = tpu.memref_slice %arg3[%add3A_91] : memref<425984xi32, #tpu.memory_space<hbm>> -> memref<512xi32, #tpu.memory_space<hbm>>
    %dma_start3A_95 = arith.constant 5632 : i32
    %dma_start3A_96 = tpu.memref_slice %arg6[%dma_start3A_95] : memref<13312xi32, #tpu.memory_space<vmem>> -> memref<512xi32, #tpu.memory_space<vmem>>
    %dma_start3A_97 = tpu.memref_slice %arg3[%add3A_91] : memref<425984xi32, #tpu.memory_space<hbm>> -> memref<512xi32, #tpu.memory_space<hbm>>
    tpu.enqueue_dma source(%dma_start3A_97 : memref<512xi32, #tpu.memory_space<hbm>>) target(%dma_start3A_96 : memref<512xi32, #tpu.memory_space<vmem>>) target_semaphore(%arg10 : memref<!tpu.dma_semaphore, #tpu.memory_space<semaphore_mem>>)
    %add3A_98 = arith.constant 196608 : i32
    %add3A_99 = arith.addi %add3A_98, %mul3A_2 : i32
    %dma_start3A_100 = arith.constant 6144 : i32
    %dma_start3A_101 = tpu.memref_slice %arg6[%dma_start3A_100] : memref<13312xi32, #tpu.memory_space<vmem>> -> memref<512xi32, #tpu.memory_space<vmem>>
    %dma_start3A_102 = tpu.memref_slice %arg3[%add3A_99] : memref<425984xi32, #tpu.memory_space<hbm>> -> memref<512xi32, #tpu.memory_space<hbm>>
    %dma_start3A_103 = arith.constant 6144 : i32
    %dma_start3A_104 = tpu.memref_slice %arg6[%dma_start3A_103] : memref<13312xi32, #tpu.memory_space<vmem>> -> memref<512xi32, #tpu.memory_space<vmem>>
    %dma_start3A_105 = tpu.memref_slice %arg3[%add3A_99] : memref<425984xi32, #tpu.memory_space<hbm>> -> memref<512xi32, #tpu.memory_space<hbm>>
    tpu.enqueue_dma source(%dma_start3A_105 : memref<512xi32, #tpu.memory_space<hbm>>) target(%dma_start3A_104 : memref<512xi32, #tpu.memory_space<vmem>>) target_semaphore(%arg10 : memref<!tpu.dma_semaphore, #tpu.memory_space<semaphore_mem>>)
    %add3A_106 = arith.constant 212992 : i32
    %add3A_107 = arith.addi %add3A_106, %mul3A_2 : i32
    %dma_start3A_108 = arith.constant 6656 : i32
    %dma_start3A_109 = tpu.memref_slice %arg6[%dma_start3A_108] : memref<13312xi32, #tpu.memory_space<vmem>> -> memref<512xi32, #tpu.memory_space<vmem>>
    %dma_start3A_110 = tpu.memref_slice %arg3[%add3A_107] : memref<425984xi32, #tpu.memory_space<hbm>> -> memref<512xi32, #tpu.memory_space<hbm>>
    %dma_start3A_111 = arith.constant 6656 : i32
    %dma_start3A_112 = tpu.memref_slice %arg6[%dma_start3A_111] : memref<13312xi32, #tpu.memory_space<vmem>> -> memref<512xi32, #tpu.memory_space<vmem>>
    %dma_start3A_113 = tpu.memref_slice %arg3[%add3A_107] : memref<425984xi32, #tpu.memory_space<hbm>> -> memref<512xi32, #tpu.memory_space<hbm>>
    tpu.enqueue_dma source(%dma_start3A_113 : memref<512xi32, #tpu.memory_space<hbm>>) target(%dma_start3A_112 : memref<512xi32, #tpu.memory_space<vmem>>) target_semaphore(%arg10 : memref<!tpu.dma_semaphore, #tpu.memory_space<semaphore_mem>>)
    %add3A_114 = arith.constant 229376 : i32
    %add3A_115 = arith.addi %add3A_114, %mul3A_2 : i32
    %dma_start3A_116 = arith.constant 7168 : i32
    %dma_start3A_117 = tpu.memref_slice %arg6[%dma_start3A_116] : memref<13312xi32, #tpu.memory_space<vmem>> -> memref<512xi32, #tpu.memory_space<vmem>>
    %dma_start3A_118 = tpu.memref_slice %arg3[%add3A_115] : memref<425984xi32, #tpu.memory_space<hbm>> -> memref<512xi32, #tpu.memory_space<hbm>>
    %dma_start3A_119 = arith.constant 7168 : i32
    %dma_start3A_120 = tpu.memref_slice %arg6[%dma_start3A_119] : memref<13312xi32, #tpu.memory_space<vmem>> -> memref<512xi32, #tpu.memory_space<vmem>>
    %dma_start3A_121 = tpu.memref_slice %arg3[%add3A_115] : memref<425984xi32, #tpu.memory_space<hbm>> -> memref<512xi32, #tpu.memory_space<hbm>>
    tpu.enqueue_dma source(%dma_start3A_121 : memref<512xi32, #tpu.memory_space<hbm>>) target(%dma_start3A_120 : memref<512xi32, #tpu.memory_space<vmem>>) target_semaphore(%arg10 : memref<!tpu.dma_semaphore, #tpu.memory_space<semaphore_mem>>)
    %add3A_122 = arith.constant 245760 : i32
    %add3A_123 = arith.addi %add3A_122, %mul3A_2 : i32
    %dma_start3A_124 = arith.constant 7680 : i32
    %dma_start3A_125 = tpu.memref_slice %arg6[%dma_start3A_124] : memref<13312xi32, #tpu.memory_space<vmem>> -> memref<512xi32, #tpu.memory_space<vmem>>
    %dma_start3A_126 = tpu.memref_slice %arg3[%add3A_123] : memref<425984xi32, #tpu.memory_space<hbm>> -> memref<512xi32, #tpu.memory_space<hbm>>
    %dma_start3A_127 = arith.constant 7680 : i32
    %dma_start3A_128 = tpu.memref_slice %arg6[%dma_start3A_127] : memref<13312xi32, #tpu.memory_space<vmem>> -> memref<512xi32, #tpu.memory_space<vmem>>
    %dma_start3A_129 = tpu.memref_slice %arg3[%add3A_123] : memref<425984xi32, #tpu.memory_space<hbm>> -> memref<512xi32, #tpu.memory_space<hbm>>
    tpu.enqueue_dma source(%dma_start3A_129 : memref<512xi32, #tpu.memory_space<hbm>>) target(%dma_start3A_128 : memref<512xi32, #tpu.memory_space<vmem>>) target_semaphore(%arg10 : memref<!tpu.dma_semaphore, #tpu.memory_space<semaphore_mem>>)
    %add3A_130 = arith.constant 262144 : i32
    %add3A_131 = arith.addi %add3A_130, %mul3A_2 : i32
    %dma_start3A_132 = arith.constant 8192 : i32
    %dma_start3A_133 = tpu.memref_slice %arg6[%dma_start3A_132] : memref<13312xi32, #tpu.memory_space<vmem>> -> memref<512xi32, #tpu.memory_space<vmem>>
    %dma_start3A_134 = tpu.memref_slice %arg3[%add3A_131] : memref<425984xi32, #tpu.memory_space<hbm>> -> memref<512xi32, #tpu.memory_space<hbm>>
    %dma_start3A_135 = arith.constant 8192 : i32
    %dma_start3A_136 = tpu.memref_slice %arg6[%dma_start3A_135] : memref<13312xi32, #tpu.memory_space<vmem>> -> memref<512xi32, #tpu.memory_space<vmem>>
    %dma_start3A_137 = tpu.memref_slice %arg3[%add3A_131] : memref<425984xi32, #tpu.memory_space<hbm>> -> memref<512xi32, #tpu.memory_space<hbm>>
    tpu.enqueue_dma source(%dma_start3A_137 : memref<512xi32, #tpu.memory_space<hbm>>) target(%dma_start3A_136 : memref<512xi32, #tpu.memory_space<vmem>>) target_semaphore(%arg10 : memref<!tpu.dma_semaphore, #tpu.memory_space<semaphore_mem>>)
    %add3A_138 = arith.constant 278528 : i32
    %add3A_139 = arith.addi %add3A_138, %mul3A_2 : i32
    %dma_start3A_140 = arith.constant 8704 : i32
    %dma_start3A_141 = tpu.memref_slice %arg6[%dma_start3A_140] : memref<13312xi32, #tpu.memory_space<vmem>> -> memref<512xi32, #tpu.memory_space<vmem>>
    %dma_start3A_142 = tpu.memref_slice %arg3[%add3A_139] : memref<425984xi32, #tpu.memory_space<hbm>> -> memref<512xi32, #tpu.memory_space<hbm>>
    %dma_start3A_143 = arith.constant 8704 : i32
    %dma_start3A_144 = tpu.memref_slice %arg6[%dma_start3A_143] : memref<13312xi32, #tpu.memory_space<vmem>> -> memref<512xi32, #tpu.memory_space<vmem>>
    %dma_start3A_145 = tpu.memref_slice %arg3[%add3A_139] : memref<425984xi32, #tpu.memory_space<hbm>> -> memref<512xi32, #tpu.memory_space<hbm>>
    tpu.enqueue_dma source(%dma_start3A_145 : memref<512xi32, #tpu.memory_space<hbm>>) target(%dma_start3A_144 : memref<512xi32, #tpu.memory_space<vmem>>) target_semaphore(%arg10 : memref<!tpu.dma_semaphore, #tpu.memory_space<semaphore_mem>>)
    %add3A_146 = arith.constant 294912 : i32
    %add3A_147 = arith.addi %add3A_146, %mul3A_2 : i32
    %dma_start3A_148 = arith.constant 9216 : i32
    %dma_start3A_149 = tpu.memref_slice %arg6[%dma_start3A_148] : memref<13312xi32, #tpu.memory_space<vmem>> -> memref<512xi32, #tpu.memory_space<vmem>>
    %dma_start3A_150 = tpu.memref_slice %arg3[%add3A_147] : memref<425984xi32, #tpu.memory_space<hbm>> -> memref<512xi32, #tpu.memory_space<hbm>>
    %dma_start3A_151 = arith.constant 9216 : i32
    %dma_start3A_152 = tpu.memref_slice %arg6[%dma_start3A_151] : memref<13312xi32, #tpu.memory_space<vmem>> -> memref<512xi32, #tpu.memory_space<vmem>>
    %dma_start3A_153 = tpu.memref_slice %arg3[%add3A_147] : memref<425984xi32, #tpu.memory_space<hbm>> -> memref<512xi32, #tpu.memory_space<hbm>>
    tpu.enqueue_dma source(%dma_start3A_153 : memref<512xi32, #tpu.memory_space<hbm>>) target(%dma_start3A_152 : memref<512xi32, #tpu.memory_space<vmem>>) target_semaphore(%arg10 : memref<!tpu.dma_semaphore, #tpu.memory_space<semaphore_mem>>)
    %add3A_154 = arith.constant 311296 : i32
    %add3A_155 = arith.addi %add3A_154, %mul3A_2 : i32
    %dma_start3A_156 = arith.constant 9728 : i32
    %dma_start3A_157 = tpu.memref_slice %arg6[%dma_start3A_156] : memref<13312xi32, #tpu.memory_space<vmem>> -> memref<512xi32, #tpu.memory_space<vmem>>
    %dma_start3A_158 = tpu.memref_slice %arg3[%add3A_155] : memref<425984xi32, #tpu.memory_space<hbm>> -> memref<512xi32, #tpu.memory_space<hbm>>
    %dma_start3A_159 = arith.constant 9728 : i32
    %dma_start3A_160 = tpu.memref_slice %arg6[%dma_start3A_159] : memref<13312xi32, #tpu.memory_space<vmem>> -> memref<512xi32, #tpu.memory_space<vmem>>
    %dma_start3A_161 = tpu.memref_slice %arg3[%add3A_155] : memref<425984xi32, #tpu.memory_space<hbm>> -> memref<512xi32, #tpu.memory_space<hbm>>
    tpu.enqueue_dma source(%dma_start3A_161 : memref<512xi32, #tpu.memory_space<hbm>>) target(%dma_start3A_160 : memref<512xi32, #tpu.memory_space<vmem>>) target_semaphore(%arg10 : memref<!tpu.dma_semaphore, #tpu.memory_space<semaphore_mem>>)
    %add3A_162 = arith.constant 327680 : i32
    %add3A_163 = arith.addi %add3A_162, %mul3A_2 : i32
    %dma_start3A_164 = arith.constant 10240 : i32
    %dma_start3A_165 = tpu.memref_slice %arg6[%dma_start3A_164] : memref<13312xi32, #tpu.memory_space<vmem>> -> memref<512xi32, #tpu.memory_space<vmem>>
    %dma_start3A_166 = tpu.memref_slice %arg3[%add3A_163] : memref<425984xi32, #tpu.memory_space<hbm>> -> memref<512xi32, #tpu.memory_space<hbm>>
    %dma_start3A_167 = arith.constant 10240 : i32
    %dma_start3A_168 = tpu.memref_slice %arg6[%dma_start3A_167] : memref<13312xi32, #tpu.memory_space<vmem>> -> memref<512xi32, #tpu.memory_space<vmem>>
    %dma_start3A_169 = tpu.memref_slice %arg3[%add3A_163] : memref<425984xi32, #tpu.memory_space<hbm>> -> memref<512xi32, #tpu.memory_space<hbm>>
    tpu.enqueue_dma source(%dma_start3A_169 : memref<512xi32, #tpu.memory_space<hbm>>) target(%dma_start3A_168 : memref<512xi32, #tpu.memory_space<vmem>>) target_semaphore(%arg10 : memref<!tpu.dma_semaphore, #tpu.memory_space<semaphore_mem>>)
    %add3A_170 = arith.constant 344064 : i32
    %add3A_171 = arith.addi %add3A_170, %mul3A_2 : i32
    %dma_start3A_172 = arith.constant 10752 : i32
    %dma_start3A_173 = tpu.memref_slice %arg6[%dma_start3A_172] : memref<13312xi32, #tpu.memory_space<vmem>> -> memref<512xi32, #tpu.memory_space<vmem>>
    %dma_start3A_174 = tpu.memref_slice %arg3[%add3A_171] : memref<425984xi32, #tpu.memory_space<hbm>> -> memref<512xi32, #tpu.memory_space<hbm>>
    %dma_start3A_175 = arith.constant 10752 : i32
    %dma_start3A_176 = tpu.memref_slice %arg6[%dma_start3A_175] : memref<13312xi32, #tpu.memory_space<vmem>> -> memref<512xi32, #tpu.memory_space<vmem>>
    %dma_start3A_177 = tpu.memref_slice %arg3[%add3A_171] : memref<425984xi32, #tpu.memory_space<hbm>> -> memref<512xi32, #tpu.memory_space<hbm>>
    tpu.enqueue_dma source(%dma_start3A_177 : memref<512xi32, #tpu.memory_space<hbm>>) target(%dma_start3A_176 : memref<512xi32, #tpu.memory_space<vmem>>) target_semaphore(%arg10 : memref<!tpu.dma_semaphore, #tpu.memory_space<semaphore_mem>>)
    %add3A_178 = arith.constant 360448 : i32
    %add3A_179 = arith.addi %add3A_178, %mul3A_2 : i32
    %dma_start3A_180 = arith.constant 11264 : i32
    %dma_start3A_181 = tpu.memref_slice %arg6[%dma_start3A_180] : memref<13312xi32, #tpu.memory_space<vmem>> -> memref<512xi32, #tpu.memory_space<vmem>>
    %dma_start3A_182 = tpu.memref_slice %arg3[%add3A_179] : memref<425984xi32, #tpu.memory_space<hbm>> -> memref<512xi32, #tpu.memory_space<hbm>>
    %dma_start3A_183 = arith.constant 11264 : i32
    %dma_start3A_184 = tpu.memref_slice %arg6[%dma_start3A_183] : memref<13312xi32, #tpu.memory_space<vmem>> -> memref<512xi32, #tpu.memory_space<vmem>>
    %dma_start3A_185 = tpu.memref_slice %arg3[%add3A_179] : memref<425984xi32, #tpu.memory_space<hbm>> -> memref<512xi32, #tpu.memory_space<hbm>>
    tpu.enqueue_dma source(%dma_start3A_185 : memref<512xi32, #tpu.memory_space<hbm>>) target(%dma_start3A_184 : memref<512xi32, #tpu.memory_space<vmem>>) target_semaphore(%arg10 : memref<!tpu.dma_semaphore, #tpu.memory_space<semaphore_mem>>)
    %add3A_186 = arith.constant 376832 : i32
    %add3A_187 = arith.addi %add3A_186, %mul3A_2 : i32
    %dma_start3A_188 = arith.constant 11776 : i32
    %dma_start3A_189 = tpu.memref_slice %arg6[%dma_start3A_188] : memref<13312xi32, #tpu.memory_space<vmem>> -> memref<512xi32, #tpu.memory_space<vmem>>
    %dma_start3A_190 = tpu.memref_slice %arg3[%add3A_187] : memref<425984xi32, #tpu.memory_space<hbm>> -> memref<512xi32, #tpu.memory_space<hbm>>
    %dma_start3A_191 = arith.constant 11776 : i32
    %dma_start3A_192 = tpu.memref_slice %arg6[%dma_start3A_191] : memref<13312xi32, #tpu.memory_space<vmem>> -> memref<512xi32, #tpu.memory_space<vmem>>
    %dma_start3A_193 = tpu.memref_slice %arg3[%add3A_187] : memref<425984xi32, #tpu.memory_space<hbm>> -> memref<512xi32, #tpu.memory_space<hbm>>
    tpu.enqueue_dma source(%dma_start3A_193 : memref<512xi32, #tpu.memory_space<hbm>>) target(%dma_start3A_192 : memref<512xi32, #tpu.memory_space<vmem>>) target_semaphore(%arg10 : memref<!tpu.dma_semaphore, #tpu.memory_space<semaphore_mem>>)
    %add3A_194 = arith.constant 393216 : i32
    %add3A_195 = arith.addi %add3A_194, %mul3A_2 : i32
    %dma_start3A_196 = arith.constant 12288 : i32
    %dma_start3A_197 = tpu.memref_slice %arg6[%dma_start3A_196] : memref<13312xi32, #tpu.memory_space<vmem>> -> memref<512xi32, #tpu.memory_space<vmem>>
    %dma_start3A_198 = tpu.memref_slice %arg3[%add3A_195] : memref<425984xi32, #tpu.memory_space<hbm>> -> memref<512xi32, #tpu.memory_space<hbm>>
    %dma_start3A_199 = arith.constant 12288 : i32
    %dma_start3A_200 = tpu.memref_slice %arg6[%dma_start3A_199] : memref<13312xi32, #tpu.memory_space<vmem>> -> memref<512xi32, #tpu.memory_space<vmem>>
    %dma_start3A_201 = tpu.memref_slice %arg3[%add3A_195] : memref<425984xi32, #tpu.memory_space<hbm>> -> memref<512xi32, #tpu.memory_space<hbm>>
    tpu.enqueue_dma source(%dma_start3A_201 : memref<512xi32, #tpu.memory_space<hbm>>) target(%dma_start3A_200 : memref<512xi32, #tpu.memory_space<vmem>>) target_semaphore(%arg10 : memref<!tpu.dma_semaphore, #tpu.memory_space<semaphore_mem>>)
    %add3A_202 = arith.constant 409600 : i32
    %add3A_203 = arith.addi %add3A_202, %mul3A_2 : i32
    %dma_start3A_204 = arith.constant 12800 : i32
    %dma_start3A_205 = tpu.memref_slice %arg6[%dma_start3A_204] : memref<13312xi32, #tpu.memory_space<vmem>> -> memref<512xi32, #tpu.memory_space<vmem>>
    %dma_start3A_206 = tpu.memref_slice %arg3[%add3A_203] : memref<425984xi32, #tpu.memory_space<hbm>> -> memref<512xi32, #tpu.memory_space<hbm>>
    %dma_start3A_207 = arith.constant 12800 : i32
    %dma_start3A_208 = tpu.memref_slice %arg6[%dma_start3A_207] : memref<13312xi32, #tpu.memory_space<vmem>> -> memref<512xi32, #tpu.memory_space<vmem>>
    %dma_start3A_209 = tpu.memref_slice %arg3[%add3A_203] : memref<425984xi32, #tpu.memory_space<hbm>> -> memref<512xi32, #tpu.memory_space<hbm>>
    tpu.enqueue_dma source(%dma_start3A_209 : memref<512xi32, #tpu.memory_space<hbm>>) target(%dma_start3A_208 : memref<512xi32, #tpu.memory_space<vmem>>) target_semaphore(%arg10 : memref<!tpu.dma_semaphore, #tpu.memory_space<semaphore_mem>>)
    %dma_wait3A = arith.constant 0 : i32
    %dma_wait3A_210 = tpu.memref_slice %arg6[%dma_wait3A] : memref<13312xi32, #tpu.memory_space<vmem>> -> memref<512xi32, #tpu.memory_space<vmem>>
    %dma_wait3A_211 = tpu.memref_slice %arg3[%add3A_4] : memref<425984xi32, #tpu.memory_space<hbm>> -> memref<512xi32, #tpu.memory_space<hbm>>
    %dma_wait3A_212 = arith.constant 0 : i32
    %dma_wait3A_213 = tpu.memref_slice %arg6[%dma_wait3A_212] : memref<13312xi32, #tpu.memory_space<vmem>> -> memref<512xi32, #tpu.memory_space<vmem>>
    %dma_wait3A_214 = tpu.memref_slice %arg3[%add3A_4] : memref<425984xi32, #tpu.memory_space<hbm>> -> memref<512xi32, #tpu.memory_space<hbm>>
    tpu.wait_dma2 semaphore(%arg10 : memref<!tpu.dma_semaphore, #tpu.memory_space<semaphore_mem>>) src(%dma_wait3A_214 : memref<512xi32, #tpu.memory_space<hbm>>) dst(%dma_wait3A_213 : memref<512xi32, #tpu.memory_space<vmem>>)
    %dma_start3A_215 = arith.constant 0 : i32
    %dma_start3A_216 = tpu.memref_slice %arg7[%dma_start3A_215] : memref<13312xf32, #tpu.memory_space<vmem>> -> memref<512xf32, #tpu.memory_space<vmem>>
    %dma_start3A_217 = arith.constant 0 : i32
    %dma_start3A_218 = tpu.memref_slice %arg6[%dma_start3A_217] : memref<13312xi32, #tpu.memory_space<vmem>> -> memref<512xi32, #tpu.memory_space<vmem>>
    %dma_start3A_219 = arith.constant 0 : i32
    %dma_start3A_220 = tpu.memref_slice %arg2[%dma_start3A_219] : memref<1000000xf32, #tpu.memory_space<hbm>> -> memref<1000000xf32, #tpu.memory_space<hbm>>
    tpu.enqueue_indirect_dma source(%dma_start3A_220 : memref<1000000xf32, #tpu.memory_space<hbm>>) target(%dma_start3A_216 : memref<512xf32, #tpu.memory_space<vmem>>) offsets(%dma_start3A_218 : memref<512xi32, #tpu.memory_space<vmem>>) semaphore(%arg11 : memref<!tpu.dma_semaphore, #tpu.memory_space<semaphore_mem>>)
    %dma_wait3A_221 = arith.constant 512 : i32
    %dma_wait3A_222 = tpu.memref_slice %arg6[%dma_wait3A_221] : memref<13312xi32, #tpu.memory_space<vmem>> -> memref<512xi32, #tpu.memory_space<vmem>>
    %dma_wait3A_223 = tpu.memref_slice %arg3[%add3A_11] : memref<425984xi32, #tpu.memory_space<hbm>> -> memref<512xi32, #tpu.memory_space<hbm>>
    %dma_wait3A_224 = arith.constant 512 : i32
    %dma_wait3A_225 = tpu.memref_slice %arg6[%dma_wait3A_224] : memref<13312xi32, #tpu.memory_space<vmem>> -> memref<512xi32, #tpu.memory_space<vmem>>
    %dma_wait3A_226 = tpu.memref_slice %arg3[%add3A_11] : memref<425984xi32, #tpu.memory_space<hbm>> -> memref<512xi32, #tpu.memory_space<hbm>>
    tpu.wait_dma2 semaphore(%arg10 : memref<!tpu.dma_semaphore, #tpu.memory_space<semaphore_mem>>) src(%dma_wait3A_226 : memref<512xi32, #tpu.memory_space<hbm>>) dst(%dma_wait3A_225 : memref<512xi32, #tpu.memory_space<vmem>>)
    %dma_start3A_227 = arith.constant 512 : i32
    %dma_start3A_228 = tpu.memref_slice %arg7[%dma_start3A_227] : memref<13312xf32, #tpu.memory_space<vmem>> -> memref<512xf32, #tpu.memory_space<vmem>>
    %dma_start3A_229 = arith.constant 512 : i32
    %dma_start3A_230 = tpu.memref_slice %arg6[%dma_start3A_229] : memref<13312xi32, #tpu.memory_space<vmem>> -> memref<512xi32, #tpu.memory_space<vmem>>
    %dma_start3A_231 = arith.constant 0 : i32
    %dma_start3A_232 = tpu.memref_slice %arg2[%dma_start3A_231] : memref<1000000xf32, #tpu.memory_space<hbm>> -> memref<1000000xf32, #tpu.memory_space<hbm>>
    tpu.enqueue_indirect_dma source(%dma_start3A_232 : memref<1000000xf32, #tpu.memory_space<hbm>>) target(%dma_start3A_228 : memref<512xf32, #tpu.memory_space<vmem>>) offsets(%dma_start3A_230 : memref<512xi32, #tpu.memory_space<vmem>>) semaphore(%arg11 : memref<!tpu.dma_semaphore, #tpu.memory_space<semaphore_mem>>)
    %dma_wait3A_233 = arith.constant 1024 : i32
    %dma_wait3A_234 = tpu.memref_slice %arg6[%dma_wait3A_233] : memref<13312xi32, #tpu.memory_space<vmem>> -> memref<512xi32, #tpu.memory_space<vmem>>
    %dma_wait3A_235 = tpu.memref_slice %arg3[%add3A_19] : memref<425984xi32, #tpu.memory_space<hbm>> -> memref<512xi32, #tpu.memory_space<hbm>>
    %dma_wait3A_236 = arith.constant 1024 : i32
    %dma_wait3A_237 = tpu.memref_slice %arg6[%dma_wait3A_236] : memref<13312xi32, #tpu.memory_space<vmem>> -> memref<512xi32, #tpu.memory_space<vmem>>
    %dma_wait3A_238 = tpu.memref_slice %arg3[%add3A_19] : memref<425984xi32, #tpu.memory_space<hbm>> -> memref<512xi32, #tpu.memory_space<hbm>>
    tpu.wait_dma2 semaphore(%arg10 : memref<!tpu.dma_semaphore, #tpu.memory_space<semaphore_mem>>) src(%dma_wait3A_238 : memref<512xi32, #tpu.memory_space<hbm>>) dst(%dma_wait3A_237 : memref<512xi32, #tpu.memory_space<vmem>>)
    %dma_start3A_239 = arith.constant 1024 : i32
    %dma_start3A_240 = tpu.memref_slice %arg7[%dma_start3A_239] : memref<13312xf32, #tpu.memory_space<vmem>> -> memref<512xf32, #tpu.memory_space<vmem>>
    %dma_start3A_241 = arith.constant 1024 : i32
    %dma_start3A_242 = tpu.memref_slice %arg6[%dma_start3A_241] : memref<13312xi32, #tpu.memory_space<vmem>> -> memref<512xi32, #tpu.memory_space<vmem>>
    %dma_start3A_243 = arith.constant 0 : i32
    %dma_start3A_244 = tpu.memref_slice %arg2[%dma_start3A_243] : memref<1000000xf32, #tpu.memory_space<hbm>> -> memref<1000000xf32, #tpu.memory_space<hbm>>
    tpu.enqueue_indirect_dma source(%dma_start3A_244 : memref<1000000xf32, #tpu.memory_space<hbm>>) target(%dma_start3A_240 : memref<512xf32, #tpu.memory_space<vmem>>) offsets(%dma_start3A_242 : memref<512xi32, #tpu.memory_space<vmem>>) semaphore(%arg11 : memref<!tpu.dma_semaphore, #tpu.memory_space<semaphore_mem>>)
    %dma_wait3A_245 = arith.constant 1536 : i32
    %dma_wait3A_246 = tpu.memref_slice %arg6[%dma_wait3A_245] : memref<13312xi32, #tpu.memory_space<vmem>> -> memref<512xi32, #tpu.memory_space<vmem>>
    %dma_wait3A_247 = tpu.memref_slice %arg3[%add3A_27] : memref<425984xi32, #tpu.memory_space<hbm>> -> memref<512xi32, #tpu.memory_space<hbm>>
    %dma_wait3A_248 = arith.constant 1536 : i32
    %dma_wait3A_249 = tpu.memref_slice %arg6[%dma_wait3A_248] : memref<13312xi32, #tpu.memory_space<vmem>> -> memref<512xi32, #tpu.memory_space<vmem>>
    %dma_wait3A_250 = tpu.memref_slice %arg3[%add3A_27] : memref<425984xi32, #tpu.memory_space<hbm>> -> memref<512xi32, #tpu.memory_space<hbm>>
    tpu.wait_dma2 semaphore(%arg10 : memref<!tpu.dma_semaphore, #tpu.memory_space<semaphore_mem>>) src(%dma_wait3A_250 : memref<512xi32, #tpu.memory_space<hbm>>) dst(%dma_wait3A_249 : memref<512xi32, #tpu.memory_space<vmem>>)
    %dma_start3A_251 = arith.constant 1536 : i32
    %dma_start3A_252 = tpu.memref_slice %arg7[%dma_start3A_251] : memref<13312xf32, #tpu.memory_space<vmem>> -> memref<512xf32, #tpu.memory_space<vmem>>
    %dma_start3A_253 = arith.constant 1536 : i32
    %dma_start3A_254 = tpu.memref_slice %arg6[%dma_start3A_253] : memref<13312xi32, #tpu.memory_space<vmem>> -> memref<512xi32, #tpu.memory_space<vmem>>
    %dma_start3A_255 = arith.constant 0 : i32
    %dma_start3A_256 = tpu.memref_slice %arg2[%dma_start3A_255] : memref<1000000xf32, #tpu.memory_space<hbm>> -> memref<1000000xf32, #tpu.memory_space<hbm>>
    tpu.enqueue_indirect_dma source(%dma_start3A_256 : memref<1000000xf32, #tpu.memory_space<hbm>>) target(%dma_start3A_252 : memref<512xf32, #tpu.memory_space<vmem>>) offsets(%dma_start3A_254 : memref<512xi32, #tpu.memory_space<vmem>>) semaphore(%arg11 : memref<!tpu.dma_semaphore, #tpu.memory_space<semaphore_mem>>)
    %dma_wait3A_257 = arith.constant 2048 : i32
    %dma_wait3A_258 = tpu.memref_slice %arg6[%dma_wait3A_257] : memref<13312xi32, #tpu.memory_space<vmem>> -> memref<512xi32, #tpu.memory_space<vmem>>
    %dma_wait3A_259 = tpu.memref_slice %arg3[%add3A_35] : memref<425984xi32, #tpu.memory_space<hbm>> -> memref<512xi32, #tpu.memory_space<hbm>>
    %dma_wait3A_260 = arith.constant 2048 : i32
    %dma_wait3A_261 = tpu.memref_slice %arg6[%dma_wait3A_260] : memref<13312xi32, #tpu.memory_space<vmem>> -> memref<512xi32, #tpu.memory_space<vmem>>
    %dma_wait3A_262 = tpu.memref_slice %arg3[%add3A_35] : memref<425984xi32, #tpu.memory_space<hbm>> -> memref<512xi32, #tpu.memory_space<hbm>>
    tpu.wait_dma2 semaphore(%arg10 : memref<!tpu.dma_semaphore, #tpu.memory_space<semaphore_mem>>) src(%dma_wait3A_262 : memref<512xi32, #tpu.memory_space<hbm>>) dst(%dma_wait3A_261 : memref<512xi32, #tpu.memory_space<vmem>>)
    %dma_start3A_263 = arith.constant 2048 : i32
    %dma_start3A_264 = tpu.memref_slice %arg7[%dma_start3A_263] : memref<13312xf32, #tpu.memory_space<vmem>> -> memref<512xf32, #tpu.memory_space<vmem>>
    %dma_start3A_265 = arith.constant 2048 : i32
    %dma_start3A_266 = tpu.memref_slice %arg6[%dma_start3A_265] : memref<13312xi32, #tpu.memory_space<vmem>> -> memref<512xi32, #tpu.memory_space<vmem>>
    %dma_start3A_267 = arith.constant 0 : i32
    %dma_start3A_268 = tpu.memref_slice %arg2[%dma_start3A_267] : memref<1000000xf32, #tpu.memory_space<hbm>> -> memref<1000000xf32, #tpu.memory_space<hbm>>
    tpu.enqueue_indirect_dma source(%dma_start3A_268 : memref<1000000xf32, #tpu.memory_space<hbm>>) target(%dma_start3A_264 : memref<512xf32, #tpu.memory_space<vmem>>) offsets(%dma_start3A_266 : memref<512xi32, #tpu.memory_space<vmem>>) semaphore(%arg11 : memref<!tpu.dma_semaphore, #tpu.memory_space<semaphore_mem>>)
    %dma_wait3A_269 = arith.constant 2560 : i32
    %dma_wait3A_270 = tpu.memref_slice %arg6[%dma_wait3A_269] : memref<13312xi32, #tpu.memory_space<vmem>> -> memref<512xi32, #tpu.memory_space<vmem>>
    %dma_wait3A_271 = tpu.memref_slice %arg3[%add3A_43] : memref<425984xi32, #tpu.memory_space<hbm>> -> memref<512xi32, #tpu.memory_space<hbm>>
    %dma_wait3A_272 = arith.constant 2560 : i32
    %dma_wait3A_273 = tpu.memref_slice %arg6[%dma_wait3A_272] : memref<13312xi32, #tpu.memory_space<vmem>> -> memref<512xi32, #tpu.memory_space<vmem>>
    %dma_wait3A_274 = tpu.memref_slice %arg3[%add3A_43] : memref<425984xi32, #tpu.memory_space<hbm>> -> memref<512xi32, #tpu.memory_space<hbm>>
    tpu.wait_dma2 semaphore(%arg10 : memref<!tpu.dma_semaphore, #tpu.memory_space<semaphore_mem>>) src(%dma_wait3A_274 : memref<512xi32, #tpu.memory_space<hbm>>) dst(%dma_wait3A_273 : memref<512xi32, #tpu.memory_space<vmem>>)
    %dma_start3A_275 = arith.constant 2560 : i32
    %dma_start3A_276 = tpu.memref_slice %arg7[%dma_start3A_275] : memref<13312xf32, #tpu.memory_space<vmem>> -> memref<512xf32, #tpu.memory_space<vmem>>
    %dma_start3A_277 = arith.constant 2560 : i32
    %dma_start3A_278 = tpu.memref_slice %arg6[%dma_start3A_277] : memref<13312xi32, #tpu.memory_space<vmem>> -> memref<512xi32, #tpu.memory_space<vmem>>
    %dma_start3A_279 = arith.constant 0 : i32
    %dma_start3A_280 = tpu.memref_slice %arg2[%dma_start3A_279] : memref<1000000xf32, #tpu.memory_space<hbm>> -> memref<1000000xf32, #tpu.memory_space<hbm>>
    tpu.enqueue_indirect_dma source(%dma_start3A_280 : memref<1000000xf32, #tpu.memory_space<hbm>>) target(%dma_start3A_276 : memref<512xf32, #tpu.memory_space<vmem>>) offsets(%dma_start3A_278 : memref<512xi32, #tpu.memory_space<vmem>>) semaphore(%arg11 : memref<!tpu.dma_semaphore, #tpu.memory_space<semaphore_mem>>)
    %dma_wait3A_281 = arith.constant 3072 : i32
    %dma_wait3A_282 = tpu.memref_slice %arg6[%dma_wait3A_281] : memref<13312xi32, #tpu.memory_space<vmem>> -> memref<512xi32, #tpu.memory_space<vmem>>
    %dma_wait3A_283 = tpu.memref_slice %arg3[%add3A_51] : memref<425984xi32, #tpu.memory_space<hbm>> -> memref<512xi32, #tpu.memory_space<hbm>>
    %dma_wait3A_284 = arith.constant 3072 : i32
    %dma_wait3A_285 = tpu.memref_slice %arg6[%dma_wait3A_284] : memref<13312xi32, #tpu.memory_space<vmem>> -> memref<512xi32, #tpu.memory_space<vmem>>
    %dma_wait3A_286 = tpu.memref_slice %arg3[%add3A_51] : memref<425984xi32, #tpu.memory_space<hbm>> -> memref<512xi32, #tpu.memory_space<hbm>>
    tpu.wait_dma2 semaphore(%arg10 : memref<!tpu.dma_semaphore, #tpu.memory_space<semaphore_mem>>) src(%dma_wait3A_286 : memref<512xi32, #tpu.memory_space<hbm>>) dst(%dma_wait3A_285 : memref<512xi32, #tpu.memory_space<vmem>>)
    %dma_start3A_287 = arith.constant 3072 : i32
    %dma_start3A_288 = tpu.memref_slice %arg7[%dma_start3A_287] : memref<13312xf32, #tpu.memory_space<vmem>> -> memref<512xf32, #tpu.memory_space<vmem>>
    %dma_start3A_289 = arith.constant 3072 : i32
    %dma_start3A_290 = tpu.memref_slice %arg6[%dma_start3A_289] : memref<13312xi32, #tpu.memory_space<vmem>> -> memref<512xi32, #tpu.memory_space<vmem>>
    %dma_start3A_291 = arith.constant 0 : i32
    %dma_start3A_292 = tpu.memref_slice %arg2[%dma_start3A_291] : memref<1000000xf32, #tpu.memory_space<hbm>> -> memref<1000000xf32, #tpu.memory_space<hbm>>
    tpu.enqueue_indirect_dma source(%dma_start3A_292 : memref<1000000xf32, #tpu.memory_space<hbm>>) target(%dma_start3A_288 : memref<512xf32, #tpu.memory_space<vmem>>) offsets(%dma_start3A_290 : memref<512xi32, #tpu.memory_space<vmem>>) semaphore(%arg11 : memref<!tpu.dma_semaphore, #tpu.memory_space<semaphore_mem>>)
    %dma_wait3A_293 = arith.constant 3584 : i32
    %dma_wait3A_294 = tpu.memref_slice %arg6[%dma_wait3A_293] : memref<13312xi32, #tpu.memory_space<vmem>> -> memref<512xi32, #tpu.memory_space<vmem>>
    %dma_wait3A_295 = tpu.memref_slice %arg3[%add3A_59] : memref<425984xi32, #tpu.memory_space<hbm>> -> memref<512xi32, #tpu.memory_space<hbm>>
    %dma_wait3A_296 = arith.constant 3584 : i32
    %dma_wait3A_297 = tpu.memref_slice %arg6[%dma_wait3A_296] : memref<13312xi32, #tpu.memory_space<vmem>> -> memref<512xi32, #tpu.memory_space<vmem>>
    %dma_wait3A_298 = tpu.memref_slice %arg3[%add3A_59] : memref<425984xi32, #tpu.memory_space<hbm>> -> memref<512xi32, #tpu.memory_space<hbm>>
    tpu.wait_dma2 semaphore(%arg10 : memref<!tpu.dma_semaphore, #tpu.memory_space<semaphore_mem>>) src(%dma_wait3A_298 : memref<512xi32, #tpu.memory_space<hbm>>) dst(%dma_wait3A_297 : memref<512xi32, #tpu.memory_space<vmem>>)
    %dma_start3A_299 = arith.constant 3584 : i32
    %dma_start3A_300 = tpu.memref_slice %arg7[%dma_start3A_299] : memref<13312xf32, #tpu.memory_space<vmem>> -> memref<512xf32, #tpu.memory_space<vmem>>
    %dma_start3A_301 = arith.constant 3584 : i32
    %dma_start3A_302 = tpu.memref_slice %arg6[%dma_start3A_301] : memref<13312xi32, #tpu.memory_space<vmem>> -> memref<512xi32, #tpu.memory_space<vmem>>
    %dma_start3A_303 = arith.constant 0 : i32
    %dma_start3A_304 = tpu.memref_slice %arg2[%dma_start3A_303] : memref<1000000xf32, #tpu.memory_space<hbm>> -> memref<1000000xf32, #tpu.memory_space<hbm>>
    tpu.enqueue_indirect_dma source(%dma_start3A_304 : memref<1000000xf32, #tpu.memory_space<hbm>>) target(%dma_start3A_300 : memref<512xf32, #tpu.memory_space<vmem>>) offsets(%dma_start3A_302 : memref<512xi32, #tpu.memory_space<vmem>>) semaphore(%arg11 : memref<!tpu.dma_semaphore, #tpu.memory_space<semaphore_mem>>)
    %dma_wait3A_305 = arith.constant 4096 : i32
    %dma_wait3A_306 = tpu.memref_slice %arg6[%dma_wait3A_305] : memref<13312xi32, #tpu.memory_space<vmem>> -> memref<512xi32, #tpu.memory_space<vmem>>
    %dma_wait3A_307 = tpu.memref_slice %arg3[%add3A_67] : memref<425984xi32, #tpu.memory_space<hbm>> -> memref<512xi32, #tpu.memory_space<hbm>>
    %dma_wait3A_308 = arith.constant 4096 : i32
    %dma_wait3A_309 = tpu.memref_slice %arg6[%dma_wait3A_308] : memref<13312xi32, #tpu.memory_space<vmem>> -> memref<512xi32, #tpu.memory_space<vmem>>
    %dma_wait3A_310 = tpu.memref_slice %arg3[%add3A_67] : memref<425984xi32, #tpu.memory_space<hbm>> -> memref<512xi32, #tpu.memory_space<hbm>>
    tpu.wait_dma2 semaphore(%arg10 : memref<!tpu.dma_semaphore, #tpu.memory_space<semaphore_mem>>) src(%dma_wait3A_310 : memref<512xi32, #tpu.memory_space<hbm>>) dst(%dma_wait3A_309 : memref<512xi32, #tpu.memory_space<vmem>>)
    %dma_start3A_311 = arith.constant 4096 : i32
    %dma_start3A_312 = tpu.memref_slice %arg7[%dma_start3A_311] : memref<13312xf32, #tpu.memory_space<vmem>> -> memref<512xf32, #tpu.memory_space<vmem>>
    %dma_start3A_313 = arith.constant 4096 : i32
    %dma_start3A_314 = tpu.memref_slice %arg6[%dma_start3A_313] : memref<13312xi32, #tpu.memory_space<vmem>> -> memref<512xi32, #tpu.memory_space<vmem>>
    %dma_start3A_315 = arith.constant 0 : i32
    %dma_start3A_316 = tpu.memref_slice %arg2[%dma_start3A_315] : memref<1000000xf32, #tpu.memory_space<hbm>> -> memref<1000000xf32, #tpu.memory_space<hbm>>
    tpu.enqueue_indirect_dma source(%dma_start3A_316 : memref<1000000xf32, #tpu.memory_space<hbm>>) target(%dma_start3A_312 : memref<512xf32, #tpu.memory_space<vmem>>) offsets(%dma_start3A_314 : memref<512xi32, #tpu.memory_space<vmem>>) semaphore(%arg11 : memref<!tpu.dma_semaphore, #tpu.memory_space<semaphore_mem>>)
    %dma_wait3A_317 = arith.constant 4608 : i32
    %dma_wait3A_318 = tpu.memref_slice %arg6[%dma_wait3A_317] : memref<13312xi32, #tpu.memory_space<vmem>> -> memref<512xi32, #tpu.memory_space<vmem>>
    %dma_wait3A_319 = tpu.memref_slice %arg3[%add3A_75] : memref<425984xi32, #tpu.memory_space<hbm>> -> memref<512xi32, #tpu.memory_space<hbm>>
    %dma_wait3A_320 = arith.constant 4608 : i32
    %dma_wait3A_321 = tpu.memref_slice %arg6[%dma_wait3A_320] : memref<13312xi32, #tpu.memory_space<vmem>> -> memref<512xi32, #tpu.memory_space<vmem>>
    %dma_wait3A_322 = tpu.memref_slice %arg3[%add3A_75] : memref<425984xi32, #tpu.memory_space<hbm>> -> memref<512xi32, #tpu.memory_space<hbm>>
    tpu.wait_dma2 semaphore(%arg10 : memref<!tpu.dma_semaphore, #tpu.memory_space<semaphore_mem>>) src(%dma_wait3A_322 : memref<512xi32, #tpu.memory_space<hbm>>) dst(%dma_wait3A_321 : memref<512xi32, #tpu.memory_space<vmem>>)
    %dma_start3A_323 = arith.constant 4608 : i32
    %dma_start3A_324 = tpu.memref_slice %arg7[%dma_start3A_323] : memref<13312xf32, #tpu.memory_space<vmem>> -> memref<512xf32, #tpu.memory_space<vmem>>
    %dma_start3A_325 = arith.constant 4608 : i32
    %dma_start3A_326 = tpu.memref_slice %arg6[%dma_start3A_325] : memref<13312xi32, #tpu.memory_space<vmem>> -> memref<512xi32, #tpu.memory_space<vmem>>
    %dma_start3A_327 = arith.constant 0 : i32
    %dma_start3A_328 = tpu.memref_slice %arg2[%dma_start3A_327] : memref<1000000xf32, #tpu.memory_space<hbm>> -> memref<1000000xf32, #tpu.memory_space<hbm>>
    tpu.enqueue_indirect_dma source(%dma_start3A_328 : memref<1000000xf32, #tpu.memory_space<hbm>>) target(%dma_start3A_324 : memref<512xf32, #tpu.memory_space<vmem>>) offsets(%dma_start3A_326 : memref<512xi32, #tpu.memory_space<vmem>>) semaphore(%arg11 : memref<!tpu.dma_semaphore, #tpu.memory_space<semaphore_mem>>)
    %dma_wait3A_329 = arith.constant 5120 : i32
    %dma_wait3A_330 = tpu.memref_slice %arg6[%dma_wait3A_329] : memref<13312xi32, #tpu.memory_space<vmem>> -> memref<512xi32, #tpu.memory_space<vmem>>
    %dma_wait3A_331 = tpu.memref_slice %arg3[%add3A_83] : memref<425984xi32, #tpu.memory_space<hbm>> -> memref<512xi32, #tpu.memory_space<hbm>>
    %dma_wait3A_332 = arith.constant 5120 : i32
    %dma_wait3A_333 = tpu.memref_slice %arg6[%dma_wait3A_332] : memref<13312xi32, #tpu.memory_space<vmem>> -> memref<512xi32, #tpu.memory_space<vmem>>
    %dma_wait3A_334 = tpu.memref_slice %arg3[%add3A_83] : memref<425984xi32, #tpu.memory_space<hbm>> -> memref<512xi32, #tpu.memory_space<hbm>>
    tpu.wait_dma2 semaphore(%arg10 : memref<!tpu.dma_semaphore, #tpu.memory_space<semaphore_mem>>) src(%dma_wait3A_334 : memref<512xi32, #tpu.memory_space<hbm>>) dst(%dma_wait3A_333 : memref<512xi32, #tpu.memory_space<vmem>>)
    %dma_start3A_335 = arith.constant 5120 : i32
    %dma_start3A_336 = tpu.memref_slice %arg7[%dma_start3A_335] : memref<13312xf32, #tpu.memory_space<vmem>> -> memref<512xf32, #tpu.memory_space<vmem>>
    %dma_start3A_337 = arith.constant 5120 : i32
    %dma_start3A_338 = tpu.memref_slice %arg6[%dma_start3A_337] : memref<13312xi32, #tpu.memory_space<vmem>> -> memref<512xi32, #tpu.memory_space<vmem>>
    %dma_start3A_339 = arith.constant 0 : i32
    %dma_start3A_340 = tpu.memref_slice %arg2[%dma_start3A_339] : memref<1000000xf32, #tpu.memory_space<hbm>> -> memref<1000000xf32, #tpu.memory_space<hbm>>
    tpu.enqueue_indirect_dma source(%dma_start3A_340 : memref<1000000xf32, #tpu.memory_space<hbm>>) target(%dma_start3A_336 : memref<512xf32, #tpu.memory_space<vmem>>) offsets(%dma_start3A_338 : memref<512xi32, #tpu.memory_space<vmem>>) semaphore(%arg11 : memref<!tpu.dma_semaphore, #tpu.memory_space<semaphore_mem>>)
    %dma_wait3A_341 = arith.constant 5632 : i32
    %dma_wait3A_342 = tpu.memref_slice %arg6[%dma_wait3A_341] : memref<13312xi32, #tpu.memory_space<vmem>> -> memref<512xi32, #tpu.memory_space<vmem>>
    %dma_wait3A_343 = tpu.memref_slice %arg3[%add3A_91] : memref<425984xi32, #tpu.memory_space<hbm>> -> memref<512xi32, #tpu.memory_space<hbm>>
    %dma_wait3A_344 = arith.constant 5632 : i32
    %dma_wait3A_345 = tpu.memref_slice %arg6[%dma_wait3A_344] : memref<13312xi32, #tpu.memory_space<vmem>> -> memref<512xi32, #tpu.memory_space<vmem>>
    %dma_wait3A_346 = tpu.memref_slice %arg3[%add3A_91] : memref<425984xi32, #tpu.memory_space<hbm>> -> memref<512xi32, #tpu.memory_space<hbm>>
    tpu.wait_dma2 semaphore(%arg10 : memref<!tpu.dma_semaphore, #tpu.memory_space<semaphore_mem>>) src(%dma_wait3A_346 : memref<512xi32, #tpu.memory_space<hbm>>) dst(%dma_wait3A_345 : memref<512xi32, #tpu.memory_space<vmem>>)
    %dma_start3A_347 = arith.constant 5632 : i32
    %dma_start3A_348 = tpu.memref_slice %arg7[%dma_start3A_347] : memref<13312xf32, #tpu.memory_space<vmem>> -> memref<512xf32, #tpu.memory_space<vmem>>
    %dma_start3A_349 = arith.constant 5632 : i32
    %dma_start3A_350 = tpu.memref_slice %arg6[%dma_start3A_349] : memref<13312xi32, #tpu.memory_space<vmem>> -> memref<512xi32, #tpu.memory_space<vmem>>
    %dma_start3A_351 = arith.constant 0 : i32
    %dma_start3A_352 = tpu.memref_slice %arg2[%dma_start3A_351] : memref<1000000xf32, #tpu.memory_space<hbm>> -> memref<1000000xf32, #tpu.memory_space<hbm>>
    tpu.enqueue_indirect_dma source(%dma_start3A_352 : memref<1000000xf32, #tpu.memory_space<hbm>>) target(%dma_start3A_348 : memref<512xf32, #tpu.memory_space<vmem>>) offsets(%dma_start3A_350 : memref<512xi32, #tpu.memory_space<vmem>>) semaphore(%arg11 : memref<!tpu.dma_semaphore, #tpu.memory_space<semaphore_mem>>)
    %dma_wait3A_353 = arith.constant 6144 : i32
    %dma_wait3A_354 = tpu.memref_slice %arg6[%dma_wait3A_353] : memref<13312xi32, #tpu.memory_space<vmem>> -> memref<512xi32, #tpu.memory_space<vmem>>
    %dma_wait3A_355 = tpu.memref_slice %arg3[%add3A_99] : memref<425984xi32, #tpu.memory_space<hbm>> -> memref<512xi32, #tpu.memory_space<hbm>>
    %dma_wait3A_356 = arith.constant 6144 : i32
    %dma_wait3A_357 = tpu.memref_slice %arg6[%dma_wait3A_356] : memref<13312xi32, #tpu.memory_space<vmem>> -> memref<512xi32, #tpu.memory_space<vmem>>
    %dma_wait3A_358 = tpu.memref_slice %arg3[%add3A_99] : memref<425984xi32, #tpu.memory_space<hbm>> -> memref<512xi32, #tpu.memory_space<hbm>>
    tpu.wait_dma2 semaphore(%arg10 : memref<!tpu.dma_semaphore, #tpu.memory_space<semaphore_mem>>) src(%dma_wait3A_358 : memref<512xi32, #tpu.memory_space<hbm>>) dst(%dma_wait3A_357 : memref<512xi32, #tpu.memory_space<vmem>>)
    %dma_start3A_359 = arith.constant 6144 : i32
    %dma_start3A_360 = tpu.memref_slice %arg7[%dma_start3A_359] : memref<13312xf32, #tpu.memory_space<vmem>> -> memref<512xf32, #tpu.memory_space<vmem>>
    %dma_start3A_361 = arith.constant 6144 : i32
    %dma_start3A_362 = tpu.memref_slice %arg6[%dma_start3A_361] : memref<13312xi32, #tpu.memory_space<vmem>> -> memref<512xi32, #tpu.memory_space<vmem>>
    %dma_start3A_363 = arith.constant 0 : i32
    %dma_start3A_364 = tpu.memref_slice %arg2[%dma_start3A_363] : memref<1000000xf32, #tpu.memory_space<hbm>> -> memref<1000000xf32, #tpu.memory_space<hbm>>
    tpu.enqueue_indirect_dma source(%dma_start3A_364 : memref<1000000xf32, #tpu.memory_space<hbm>>) target(%dma_start3A_360 : memref<512xf32, #tpu.memory_space<vmem>>) offsets(%dma_start3A_362 : memref<512xi32, #tpu.memory_space<vmem>>) semaphore(%arg11 : memref<!tpu.dma_semaphore, #tpu.memory_space<semaphore_mem>>)
    %dma_wait3A_365 = arith.constant 6656 : i32
    %dma_wait3A_366 = tpu.memref_slice %arg6[%dma_wait3A_365] : memref<13312xi32, #tpu.memory_space<vmem>> -> memref<512xi32, #tpu.memory_space<vmem>>
    %dma_wait3A_367 = tpu.memref_slice %arg3[%add3A_107] : memref<425984xi32, #tpu.memory_space<hbm>> -> memref<512xi32, #tpu.memory_space<hbm>>
    %dma_wait3A_368 = arith.constant 6656 : i32
    %dma_wait3A_369 = tpu.memref_slice %arg6[%dma_wait3A_368] : memref<13312xi32, #tpu.memory_space<vmem>> -> memref<512xi32, #tpu.memory_space<vmem>>
    %dma_wait3A_370 = tpu.memref_slice %arg3[%add3A_107] : memref<425984xi32, #tpu.memory_space<hbm>> -> memref<512xi32, #tpu.memory_space<hbm>>
    tpu.wait_dma2 semaphore(%arg10 : memref<!tpu.dma_semaphore, #tpu.memory_space<semaphore_mem>>) src(%dma_wait3A_370 : memref<512xi32, #tpu.memory_space<hbm>>) dst(%dma_wait3A_369 : memref<512xi32, #tpu.memory_space<vmem>>)
    %dma_start3A_371 = arith.constant 6656 : i32
    %dma_start3A_372 = tpu.memref_slice %arg7[%dma_start3A_371] : memref<13312xf32, #tpu.memory_space<vmem>> -> memref<512xf32, #tpu.memory_space<vmem>>
    %dma_start3A_373 = arith.constant 6656 : i32
    %dma_start3A_374 = tpu.memref_slice %arg6[%dma_start3A_373] : memref<13312xi32, #tpu.memory_space<vmem>> -> memref<512xi32, #tpu.memory_space<vmem>>
    %dma_start3A_375 = arith.constant 0 : i32
    %dma_start3A_376 = tpu.memref_slice %arg2[%dma_start3A_375] : memref<1000000xf32, #tpu.memory_space<hbm>> -> memref<1000000xf32, #tpu.memory_space<hbm>>
    tpu.enqueue_indirect_dma source(%dma_start3A_376 : memref<1000000xf32, #tpu.memory_space<hbm>>) target(%dma_start3A_372 : memref<512xf32, #tpu.memory_space<vmem>>) offsets(%dma_start3A_374 : memref<512xi32, #tpu.memory_space<vmem>>) semaphore(%arg11 : memref<!tpu.dma_semaphore, #tpu.memory_space<semaphore_mem>>)
    %dma_wait3A_377 = arith.constant 7168 : i32
    %dma_wait3A_378 = tpu.memref_slice %arg6[%dma_wait3A_377] : memref<13312xi32, #tpu.memory_space<vmem>> -> memref<512xi32, #tpu.memory_space<vmem>>
    %dma_wait3A_379 = tpu.memref_slice %arg3[%add3A_115] : memref<425984xi32, #tpu.memory_space<hbm>> -> memref<512xi32, #tpu.memory_space<hbm>>
    %dma_wait3A_380 = arith.constant 7168 : i32
    %dma_wait3A_381 = tpu.memref_slice %arg6[%dma_wait3A_380] : memref<13312xi32, #tpu.memory_space<vmem>> -> memref<512xi32, #tpu.memory_space<vmem>>
    %dma_wait3A_382 = tpu.memref_slice %arg3[%add3A_115] : memref<425984xi32, #tpu.memory_space<hbm>> -> memref<512xi32, #tpu.memory_space<hbm>>
    tpu.wait_dma2 semaphore(%arg10 : memref<!tpu.dma_semaphore, #tpu.memory_space<semaphore_mem>>) src(%dma_wait3A_382 : memref<512xi32, #tpu.memory_space<hbm>>) dst(%dma_wait3A_381 : memref<512xi32, #tpu.memory_space<vmem>>)
    %dma_start3A_383 = arith.constant 7168 : i32
    %dma_start3A_384 = tpu.memref_slice %arg7[%dma_start3A_383] : memref<13312xf32, #tpu.memory_space<vmem>> -> memref<512xf32, #tpu.memory_space<vmem>>
    %dma_start3A_385 = arith.constant 7168 : i32
    %dma_start3A_386 = tpu.memref_slice %arg6[%dma_start3A_385] : memref<13312xi32, #tpu.memory_space<vmem>> -> memref<512xi32, #tpu.memory_space<vmem>>
    %dma_start3A_387 = arith.constant 0 : i32
    %dma_start3A_388 = tpu.memref_slice %arg2[%dma_start3A_387] : memref<1000000xf32, #tpu.memory_space<hbm>> -> memref<1000000xf32, #tpu.memory_space<hbm>>
    tpu.enqueue_indirect_dma source(%dma_start3A_388 : memref<1000000xf32, #tpu.memory_space<hbm>>) target(%dma_start3A_384 : memref<512xf32, #tpu.memory_space<vmem>>) offsets(%dma_start3A_386 : memref<512xi32, #tpu.memory_space<vmem>>) semaphore(%arg11 : memref<!tpu.dma_semaphore, #tpu.memory_space<semaphore_mem>>)
    %dma_wait3A_389 = arith.constant 7680 : i32
    %dma_wait3A_390 = tpu.memref_slice %arg6[%dma_wait3A_389] : memref<13312xi32, #tpu.memory_space<vmem>> -> memref<512xi32, #tpu.memory_space<vmem>>
    %dma_wait3A_391 = tpu.memref_slice %arg3[%add3A_123] : memref<425984xi32, #tpu.memory_space<hbm>> -> memref<512xi32, #tpu.memory_space<hbm>>
    %dma_wait3A_392 = arith.constant 7680 : i32
    %dma_wait3A_393 = tpu.memref_slice %arg6[%dma_wait3A_392] : memref<13312xi32, #tpu.memory_space<vmem>> -> memref<512xi32, #tpu.memory_space<vmem>>
    %dma_wait3A_394 = tpu.memref_slice %arg3[%add3A_123] : memref<425984xi32, #tpu.memory_space<hbm>> -> memref<512xi32, #tpu.memory_space<hbm>>
    tpu.wait_dma2 semaphore(%arg10 : memref<!tpu.dma_semaphore, #tpu.memory_space<semaphore_mem>>) src(%dma_wait3A_394 : memref<512xi32, #tpu.memory_space<hbm>>) dst(%dma_wait3A_393 : memref<512xi32, #tpu.memory_space<vmem>>)
    %dma_start3A_395 = arith.constant 7680 : i32
    %dma_start3A_396 = tpu.memref_slice %arg7[%dma_start3A_395] : memref<13312xf32, #tpu.memory_space<vmem>> -> memref<512xf32, #tpu.memory_space<vmem>>
    %dma_start3A_397 = arith.constant 7680 : i32
    %dma_start3A_398 = tpu.memref_slice %arg6[%dma_start3A_397] : memref<13312xi32, #tpu.memory_space<vmem>> -> memref<512xi32, #tpu.memory_space<vmem>>
    %dma_start3A_399 = arith.constant 0 : i32
    %dma_start3A_400 = tpu.memref_slice %arg2[%dma_start3A_399] : memref<1000000xf32, #tpu.memory_space<hbm>> -> memref<1000000xf32, #tpu.memory_space<hbm>>
    tpu.enqueue_indirect_dma source(%dma_start3A_400 : memref<1000000xf32, #tpu.memory_space<hbm>>) target(%dma_start3A_396 : memref<512xf32, #tpu.memory_space<vmem>>) offsets(%dma_start3A_398 : memref<512xi32, #tpu.memory_space<vmem>>) semaphore(%arg11 : memref<!tpu.dma_semaphore, #tpu.memory_space<semaphore_mem>>)
    %dma_wait3A_401 = arith.constant 8192 : i32
    %dma_wait3A_402 = tpu.memref_slice %arg6[%dma_wait3A_401] : memref<13312xi32, #tpu.memory_space<vmem>> -> memref<512xi32, #tpu.memory_space<vmem>>
    %dma_wait3A_403 = tpu.memref_slice %arg3[%add3A_131] : memref<425984xi32, #tpu.memory_space<hbm>> -> memref<512xi32, #tpu.memory_space<hbm>>
    %dma_wait3A_404 = arith.constant 8192 : i32
    %dma_wait3A_405 = tpu.memref_slice %arg6[%dma_wait3A_404] : memref<13312xi32, #tpu.memory_space<vmem>> -> memref<512xi32, #tpu.memory_space<vmem>>
    %dma_wait3A_406 = tpu.memref_slice %arg3[%add3A_131] : memref<425984xi32, #tpu.memory_space<hbm>> -> memref<512xi32, #tpu.memory_space<hbm>>
    tpu.wait_dma2 semaphore(%arg10 : memref<!tpu.dma_semaphore, #tpu.memory_space<semaphore_mem>>) src(%dma_wait3A_406 : memref<512xi32, #tpu.memory_space<hbm>>) dst(%dma_wait3A_405 : memref<512xi32, #tpu.memory_space<vmem>>)
    %dma_start3A_407 = arith.constant 8192 : i32
    %dma_start3A_408 = tpu.memref_slice %arg7[%dma_start3A_407] : memref<13312xf32, #tpu.memory_space<vmem>> -> memref<512xf32, #tpu.memory_space<vmem>>
    %dma_start3A_409 = arith.constant 8192 : i32
    %dma_start3A_410 = tpu.memref_slice %arg6[%dma_start3A_409] : memref<13312xi32, #tpu.memory_space<vmem>> -> memref<512xi32, #tpu.memory_space<vmem>>
    %dma_start3A_411 = arith.constant 0 : i32
    %dma_start3A_412 = tpu.memref_slice %arg2[%dma_start3A_411] : memref<1000000xf32, #tpu.memory_space<hbm>> -> memref<1000000xf32, #tpu.memory_space<hbm>>
    tpu.enqueue_indirect_dma source(%dma_start3A_412 : memref<1000000xf32, #tpu.memory_space<hbm>>) target(%dma_start3A_408 : memref<512xf32, #tpu.memory_space<vmem>>) offsets(%dma_start3A_410 : memref<512xi32, #tpu.memory_space<vmem>>) semaphore(%arg11 : memref<!tpu.dma_semaphore, #tpu.memory_space<semaphore_mem>>)
    %dma_wait3A_413 = arith.constant 8704 : i32
    %dma_wait3A_414 = tpu.memref_slice %arg6[%dma_wait3A_413] : memref<13312xi32, #tpu.memory_space<vmem>> -> memref<512xi32, #tpu.memory_space<vmem>>
    %dma_wait3A_415 = tpu.memref_slice %arg3[%add3A_139] : memref<425984xi32, #tpu.memory_space<hbm>> -> memref<512xi32, #tpu.memory_space<hbm>>
    %dma_wait3A_416 = arith.constant 8704 : i32
    %dma_wait3A_417 = tpu.memref_slice %arg6[%dma_wait3A_416] : memref<13312xi32, #tpu.memory_space<vmem>> -> memref<512xi32, #tpu.memory_space<vmem>>
    %dma_wait3A_418 = tpu.memref_slice %arg3[%add3A_139] : memref<425984xi32, #tpu.memory_space<hbm>> -> memref<512xi32, #tpu.memory_space<hbm>>
    tpu.wait_dma2 semaphore(%arg10 : memref<!tpu.dma_semaphore, #tpu.memory_space<semaphore_mem>>) src(%dma_wait3A_418 : memref<512xi32, #tpu.memory_space<hbm>>) dst(%dma_wait3A_417 : memref<512xi32, #tpu.memory_space<vmem>>)
    %dma_start3A_419 = arith.constant 8704 : i32
    %dma_start3A_420 = tpu.memref_slice %arg7[%dma_start3A_419] : memref<13312xf32, #tpu.memory_space<vmem>> -> memref<512xf32, #tpu.memory_space<vmem>>
    %dma_start3A_421 = arith.constant 8704 : i32
    %dma_start3A_422 = tpu.memref_slice %arg6[%dma_start3A_421] : memref<13312xi32, #tpu.memory_space<vmem>> -> memref<512xi32, #tpu.memory_space<vmem>>
    %dma_start3A_423 = arith.constant 0 : i32
    %dma_start3A_424 = tpu.memref_slice %arg2[%dma_start3A_423] : memref<1000000xf32, #tpu.memory_space<hbm>> -> memref<1000000xf32, #tpu.memory_space<hbm>>
    tpu.enqueue_indirect_dma source(%dma_start3A_424 : memref<1000000xf32, #tpu.memory_space<hbm>>) target(%dma_start3A_420 : memref<512xf32, #tpu.memory_space<vmem>>) offsets(%dma_start3A_422 : memref<512xi32, #tpu.memory_space<vmem>>) semaphore(%arg11 : memref<!tpu.dma_semaphore, #tpu.memory_space<semaphore_mem>>)
    %dma_wait3A_425 = arith.constant 9216 : i32
    %dma_wait3A_426 = tpu.memref_slice %arg6[%dma_wait3A_425] : memref<13312xi32, #tpu.memory_space<vmem>> -> memref<512xi32, #tpu.memory_space<vmem>>
    %dma_wait3A_427 = tpu.memref_slice %arg3[%add3A_147] : memref<425984xi32, #tpu.memory_space<hbm>> -> memref<512xi32, #tpu.memory_space<hbm>>
    %dma_wait3A_428 = arith.constant 9216 : i32
    %dma_wait3A_429 = tpu.memref_slice %arg6[%dma_wait3A_428] : memref<13312xi32, #tpu.memory_space<vmem>> -> memref<512xi32, #tpu.memory_space<vmem>>
    %dma_wait3A_430 = tpu.memref_slice %arg3[%add3A_147] : memref<425984xi32, #tpu.memory_space<hbm>> -> memref<512xi32, #tpu.memory_space<hbm>>
    tpu.wait_dma2 semaphore(%arg10 : memref<!tpu.dma_semaphore, #tpu.memory_space<semaphore_mem>>) src(%dma_wait3A_430 : memref<512xi32, #tpu.memory_space<hbm>>) dst(%dma_wait3A_429 : memref<512xi32, #tpu.memory_space<vmem>>)
    %dma_start3A_431 = arith.constant 9216 : i32
    %dma_start3A_432 = tpu.memref_slice %arg7[%dma_start3A_431] : memref<13312xf32, #tpu.memory_space<vmem>> -> memref<512xf32, #tpu.memory_space<vmem>>
    %dma_start3A_433 = arith.constant 9216 : i32
    %dma_start3A_434 = tpu.memref_slice %arg6[%dma_start3A_433] : memref<13312xi32, #tpu.memory_space<vmem>> -> memref<512xi32, #tpu.memory_space<vmem>>
    %dma_start3A_435 = arith.constant 0 : i32
    %dma_start3A_436 = tpu.memref_slice %arg2[%dma_start3A_435] : memref<1000000xf32, #tpu.memory_space<hbm>> -> memref<1000000xf32, #tpu.memory_space<hbm>>
    tpu.enqueue_indirect_dma source(%dma_start3A_436 : memref<1000000xf32, #tpu.memory_space<hbm>>) target(%dma_start3A_432 : memref<512xf32, #tpu.memory_space<vmem>>) offsets(%dma_start3A_434 : memref<512xi32, #tpu.memory_space<vmem>>) semaphore(%arg11 : memref<!tpu.dma_semaphore, #tpu.memory_space<semaphore_mem>>)
    %dma_wait3A_437 = arith.constant 9728 : i32
    %dma_wait3A_438 = tpu.memref_slice %arg6[%dma_wait3A_437] : memref<13312xi32, #tpu.memory_space<vmem>> -> memref<512xi32, #tpu.memory_space<vmem>>
    %dma_wait3A_439 = tpu.memref_slice %arg3[%add3A_155] : memref<425984xi32, #tpu.memory_space<hbm>> -> memref<512xi32, #tpu.memory_space<hbm>>
    %dma_wait3A_440 = arith.constant 9728 : i32
    %dma_wait3A_441 = tpu.memref_slice %arg6[%dma_wait3A_440] : memref<13312xi32, #tpu.memory_space<vmem>> -> memref<512xi32, #tpu.memory_space<vmem>>
    %dma_wait3A_442 = tpu.memref_slice %arg3[%add3A_155] : memref<425984xi32, #tpu.memory_space<hbm>> -> memref<512xi32, #tpu.memory_space<hbm>>
    tpu.wait_dma2 semaphore(%arg10 : memref<!tpu.dma_semaphore, #tpu.memory_space<semaphore_mem>>) src(%dma_wait3A_442 : memref<512xi32, #tpu.memory_space<hbm>>) dst(%dma_wait3A_441 : memref<512xi32, #tpu.memory_space<vmem>>)
    %dma_start3A_443 = arith.constant 9728 : i32
    %dma_start3A_444 = tpu.memref_slice %arg7[%dma_start3A_443] : memref<13312xf32, #tpu.memory_space<vmem>> -> memref<512xf32, #tpu.memory_space<vmem>>
    %dma_start3A_445 = arith.constant 9728 : i32
    %dma_start3A_446 = tpu.memref_slice %arg6[%dma_start3A_445] : memref<13312xi32, #tpu.memory_space<vmem>> -> memref<512xi32, #tpu.memory_space<vmem>>
    %dma_start3A_447 = arith.constant 0 : i32
    %dma_start3A_448 = tpu.memref_slice %arg2[%dma_start3A_447] : memref<1000000xf32, #tpu.memory_space<hbm>> -> memref<1000000xf32, #tpu.memory_space<hbm>>
    tpu.enqueue_indirect_dma source(%dma_start3A_448 : memref<1000000xf32, #tpu.memory_space<hbm>>) target(%dma_start3A_444 : memref<512xf32, #tpu.memory_space<vmem>>) offsets(%dma_start3A_446 : memref<512xi32, #tpu.memory_space<vmem>>) semaphore(%arg11 : memref<!tpu.dma_semaphore, #tpu.memory_space<semaphore_mem>>)
    %dma_wait3A_449 = arith.constant 10240 : i32
    %dma_wait3A_450 = tpu.memref_slice %arg6[%dma_wait3A_449] : memref<13312xi32, #tpu.memory_space<vmem>> -> memref<512xi32, #tpu.memory_space<vmem>>
    %dma_wait3A_451 = tpu.memref_slice %arg3[%add3A_163] : memref<425984xi32, #tpu.memory_space<hbm>> -> memref<512xi32, #tpu.memory_space<hbm>>
    %dma_wait3A_452 = arith.constant 10240 : i32
    %dma_wait3A_453 = tpu.memref_slice %arg6[%dma_wait3A_452] : memref<13312xi32, #tpu.memory_space<vmem>> -> memref<512xi32, #tpu.memory_space<vmem>>
    %dma_wait3A_454 = tpu.memref_slice %arg3[%add3A_163] : memref<425984xi32, #tpu.memory_space<hbm>> -> memref<512xi32, #tpu.memory_space<hbm>>
    tpu.wait_dma2 semaphore(%arg10 : memref<!tpu.dma_semaphore, #tpu.memory_space<semaphore_mem>>) src(%dma_wait3A_454 : memref<512xi32, #tpu.memory_space<hbm>>) dst(%dma_wait3A_453 : memref<512xi32, #tpu.memory_space<vmem>>)
    %dma_start3A_455 = arith.constant 10240 : i32
    %dma_start3A_456 = tpu.memref_slice %arg7[%dma_start3A_455] : memref<13312xf32, #tpu.memory_space<vmem>> -> memref<512xf32, #tpu.memory_space<vmem>>
    %dma_start3A_457 = arith.constant 10240 : i32
    %dma_start3A_458 = tpu.memref_slice %arg6[%dma_start3A_457] : memref<13312xi32, #tpu.memory_space<vmem>> -> memref<512xi32, #tpu.memory_space<vmem>>
    %dma_start3A_459 = arith.constant 0 : i32
    %dma_start3A_460 = tpu.memref_slice %arg2[%dma_start3A_459] : memref<1000000xf32, #tpu.memory_space<hbm>> -> memref<1000000xf32, #tpu.memory_space<hbm>>
    tpu.enqueue_indirect_dma source(%dma_start3A_460 : memref<1000000xf32, #tpu.memory_space<hbm>>) target(%dma_start3A_456 : memref<512xf32, #tpu.memory_space<vmem>>) offsets(%dma_start3A_458 : memref<512xi32, #tpu.memory_space<vmem>>) semaphore(%arg11 : memref<!tpu.dma_semaphore, #tpu.memory_space<semaphore_mem>>)
    %dma_wait3A_461 = arith.constant 10752 : i32
    %dma_wait3A_462 = tpu.memref_slice %arg6[%dma_wait3A_461] : memref<13312xi32, #tpu.memory_space<vmem>> -> memref<512xi32, #tpu.memory_space<vmem>>
    %dma_wait3A_463 = tpu.memref_slice %arg3[%add3A_171] : memref<425984xi32, #tpu.memory_space<hbm>> -> memref<512xi32, #tpu.memory_space<hbm>>
    %dma_wait3A_464 = arith.constant 10752 : i32
    %dma_wait3A_465 = tpu.memref_slice %arg6[%dma_wait3A_464] : memref<13312xi32, #tpu.memory_space<vmem>> -> memref<512xi32, #tpu.memory_space<vmem>>
    %dma_wait3A_466 = tpu.memref_slice %arg3[%add3A_171] : memref<425984xi32, #tpu.memory_space<hbm>> -> memref<512xi32, #tpu.memory_space<hbm>>
    tpu.wait_dma2 semaphore(%arg10 : memref<!tpu.dma_semaphore, #tpu.memory_space<semaphore_mem>>) src(%dma_wait3A_466 : memref<512xi32, #tpu.memory_space<hbm>>) dst(%dma_wait3A_465 : memref<512xi32, #tpu.memory_space<vmem>>)
    %dma_start3A_467 = arith.constant 10752 : i32
    %dma_start3A_468 = tpu.memref_slice %arg7[%dma_start3A_467] : memref<13312xf32, #tpu.memory_space<vmem>> -> memref<512xf32, #tpu.memory_space<vmem>>
    %dma_start3A_469 = arith.constant 10752 : i32
    %dma_start3A_470 = tpu.memref_slice %arg6[%dma_start3A_469] : memref<13312xi32, #tpu.memory_space<vmem>> -> memref<512xi32, #tpu.memory_space<vmem>>
    %dma_start3A_471 = arith.constant 0 : i32
    %dma_start3A_472 = tpu.memref_slice %arg2[%dma_start3A_471] : memref<1000000xf32, #tpu.memory_space<hbm>> -> memref<1000000xf32, #tpu.memory_space<hbm>>
    tpu.enqueue_indirect_dma source(%dma_start3A_472 : memref<1000000xf32, #tpu.memory_space<hbm>>) target(%dma_start3A_468 : memref<512xf32, #tpu.memory_space<vmem>>) offsets(%dma_start3A_470 : memref<512xi32, #tpu.memory_space<vmem>>) semaphore(%arg11 : memref<!tpu.dma_semaphore, #tpu.memory_space<semaphore_mem>>)
    %dma_wait3A_473 = arith.constant 11264 : i32
    %dma_wait3A_474 = tpu.memref_slice %arg6[%dma_wait3A_473] : memref<13312xi32, #tpu.memory_space<vmem>> -> memref<512xi32, #tpu.memory_space<vmem>>
    %dma_wait3A_475 = tpu.memref_slice %arg3[%add3A_179] : memref<425984xi32, #tpu.memory_space<hbm>> -> memref<512xi32, #tpu.memory_space<hbm>>
    %dma_wait3A_476 = arith.constant 11264 : i32
    %dma_wait3A_477 = tpu.memref_slice %arg6[%dma_wait3A_476] : memref<13312xi32, #tpu.memory_space<vmem>> -> memref<512xi32, #tpu.memory_space<vmem>>
    %dma_wait3A_478 = tpu.memref_slice %arg3[%add3A_179] : memref<425984xi32, #tpu.memory_space<hbm>> -> memref<512xi32, #tpu.memory_space<hbm>>
    tpu.wait_dma2 semaphore(%arg10 : memref<!tpu.dma_semaphore, #tpu.memory_space<semaphore_mem>>) src(%dma_wait3A_478 : memref<512xi32, #tpu.memory_space<hbm>>) dst(%dma_wait3A_477 : memref<512xi32, #tpu.memory_space<vmem>>)
    %dma_start3A_479 = arith.constant 11264 : i32
    %dma_start3A_480 = tpu.memref_slice %arg7[%dma_start3A_479] : memref<13312xf32, #tpu.memory_space<vmem>> -> memref<512xf32, #tpu.memory_space<vmem>>
    %dma_start3A_481 = arith.constant 11264 : i32
    %dma_start3A_482 = tpu.memref_slice %arg6[%dma_start3A_481] : memref<13312xi32, #tpu.memory_space<vmem>> -> memref<512xi32, #tpu.memory_space<vmem>>
    %dma_start3A_483 = arith.constant 0 : i32
    %dma_start3A_484 = tpu.memref_slice %arg2[%dma_start3A_483] : memref<1000000xf32, #tpu.memory_space<hbm>> -> memref<1000000xf32, #tpu.memory_space<hbm>>
    tpu.enqueue_indirect_dma source(%dma_start3A_484 : memref<1000000xf32, #tpu.memory_space<hbm>>) target(%dma_start3A_480 : memref<512xf32, #tpu.memory_space<vmem>>) offsets(%dma_start3A_482 : memref<512xi32, #tpu.memory_space<vmem>>) semaphore(%arg11 : memref<!tpu.dma_semaphore, #tpu.memory_space<semaphore_mem>>)
    %dma_wait3A_485 = arith.constant 11776 : i32
    %dma_wait3A_486 = tpu.memref_slice %arg6[%dma_wait3A_485] : memref<13312xi32, #tpu.memory_space<vmem>> -> memref<512xi32, #tpu.memory_space<vmem>>
    %dma_wait3A_487 = tpu.memref_slice %arg3[%add3A_187] : memref<425984xi32, #tpu.memory_space<hbm>> -> memref<512xi32, #tpu.memory_space<hbm>>
    %dma_wait3A_488 = arith.constant 11776 : i32
    %dma_wait3A_489 = tpu.memref_slice %arg6[%dma_wait3A_488] : memref<13312xi32, #tpu.memory_space<vmem>> -> memref<512xi32, #tpu.memory_space<vmem>>
    %dma_wait3A_490 = tpu.memref_slice %arg3[%add3A_187] : memref<425984xi32, #tpu.memory_space<hbm>> -> memref<512xi32, #tpu.memory_space<hbm>>
    tpu.wait_dma2 semaphore(%arg10 : memref<!tpu.dma_semaphore, #tpu.memory_space<semaphore_mem>>) src(%dma_wait3A_490 : memref<512xi32, #tpu.memory_space<hbm>>) dst(%dma_wait3A_489 : memref<512xi32, #tpu.memory_space<vmem>>)
    %dma_start3A_491 = arith.constant 11776 : i32
    %dma_start3A_492 = tpu.memref_slice %arg7[%dma_start3A_491] : memref<13312xf32, #tpu.memory_space<vmem>> -> memref<512xf32, #tpu.memory_space<vmem>>
    %dma_start3A_493 = arith.constant 11776 : i32
    %dma_start3A_494 = tpu.memref_slice %arg6[%dma_start3A_493] : memref<13312xi32, #tpu.memory_space<vmem>> -> memref<512xi32, #tpu.memory_space<vmem>>
    %dma_start3A_495 = arith.constant 0 : i32
    %dma_start3A_496 = tpu.memref_slice %arg2[%dma_start3A_495] : memref<1000000xf32, #tpu.memory_space<hbm>> -> memref<1000000xf32, #tpu.memory_space<hbm>>
    tpu.enqueue_indirect_dma source(%dma_start3A_496 : memref<1000000xf32, #tpu.memory_space<hbm>>) target(%dma_start3A_492 : memref<512xf32, #tpu.memory_space<vmem>>) offsets(%dma_start3A_494 : memref<512xi32, #tpu.memory_space<vmem>>) semaphore(%arg11 : memref<!tpu.dma_semaphore, #tpu.memory_space<semaphore_mem>>)
    %dma_wait3A_497 = arith.constant 12288 : i32
    %dma_wait3A_498 = tpu.memref_slice %arg6[%dma_wait3A_497] : memref<13312xi32, #tpu.memory_space<vmem>> -> memref<512xi32, #tpu.memory_space<vmem>>
    %dma_wait3A_499 = tpu.memref_slice %arg3[%add3A_195] : memref<425984xi32, #tpu.memory_space<hbm>> -> memref<512xi32, #tpu.memory_space<hbm>>
    %dma_wait3A_500 = arith.constant 12288 : i32
    %dma_wait3A_501 = tpu.memref_slice %arg6[%dma_wait3A_500] : memref<13312xi32, #tpu.memory_space<vmem>> -> memref<512xi32, #tpu.memory_space<vmem>>
    %dma_wait3A_502 = tpu.memref_slice %arg3[%add3A_195] : memref<425984xi32, #tpu.memory_space<hbm>> -> memref<512xi32, #tpu.memory_space<hbm>>
    tpu.wait_dma2 semaphore(%arg10 : memref<!tpu.dma_semaphore, #tpu.memory_space<semaphore_mem>>) src(%dma_wait3A_502 : memref<512xi32, #tpu.memory_space<hbm>>) dst(%dma_wait3A_501 : memref<512xi32, #tpu.memory_space<vmem>>)
    %dma_start3A_503 = arith.constant 12288 : i32
    %dma_start3A_504 = tpu.memref_slice %arg7[%dma_start3A_503] : memref<13312xf32, #tpu.memory_space<vmem>> -> memref<512xf32, #tpu.memory_space<vmem>>
    %dma_start3A_505 = arith.constant 12288 : i32
    %dma_start3A_506 = tpu.memref_slice %arg6[%dma_start3A_505] : memref<13312xi32, #tpu.memory_space<vmem>> -> memref<512xi32, #tpu.memory_space<vmem>>
    %dma_start3A_507 = arith.constant 0 : i32
    %dma_start3A_508 = tpu.memref_slice %arg2[%dma_start3A_507] : memref<1000000xf32, #tpu.memory_space<hbm>> -> memref<1000000xf32, #tpu.memory_space<hbm>>
    tpu.enqueue_indirect_dma source(%dma_start3A_508 : memref<1000000xf32, #tpu.memory_space<hbm>>) target(%dma_start3A_504 : memref<512xf32, #tpu.memory_space<vmem>>) offsets(%dma_start3A_506 : memref<512xi32, #tpu.memory_space<vmem>>) semaphore(%arg11 : memref<!tpu.dma_semaphore, #tpu.memory_space<semaphore_mem>>)
    %dma_wait3A_509 = arith.constant 12800 : i32
    %dma_wait3A_510 = tpu.memref_slice %arg6[%dma_wait3A_509] : memref<13312xi32, #tpu.memory_space<vmem>> -> memref<512xi32, #tpu.memory_space<vmem>>
    %dma_wait3A_511 = tpu.memref_slice %arg3[%add3A_203] : memref<425984xi32, #tpu.memory_space<hbm>> -> memref<512xi32, #tpu.memory_space<hbm>>
    %dma_wait3A_512 = arith.constant 12800 : i32
    %dma_wait3A_513 = tpu.memref_slice %arg6[%dma_wait3A_512] : memref<13312xi32, #tpu.memory_space<vmem>> -> memref<512xi32, #tpu.memory_space<vmem>>
    %dma_wait3A_514 = tpu.memref_slice %arg3[%add3A_203] : memref<425984xi32, #tpu.memory_space<hbm>> -> memref<512xi32, #tpu.memory_space<hbm>>
    tpu.wait_dma2 semaphore(%arg10 : memref<!tpu.dma_semaphore, #tpu.memory_space<semaphore_mem>>) src(%dma_wait3A_514 : memref<512xi32, #tpu.memory_space<hbm>>) dst(%dma_wait3A_513 : memref<512xi32, #tpu.memory_space<vmem>>)
    %dma_start3A_515 = arith.constant 12800 : i32
    %dma_start3A_516 = tpu.memref_slice %arg7[%dma_start3A_515] : memref<13312xf32, #tpu.memory_space<vmem>> -> memref<512xf32, #tpu.memory_space<vmem>>
    %dma_start3A_517 = arith.constant 12800 : i32
    %dma_start3A_518 = tpu.memref_slice %arg6[%dma_start3A_517] : memref<13312xi32, #tpu.memory_space<vmem>> -> memref<512xi32, #tpu.memory_space<vmem>>
    %dma_start3A_519 = arith.constant 0 : i32
    %dma_start3A_520 = tpu.memref_slice %arg2[%dma_start3A_519] : memref<1000000xf32, #tpu.memory_space<hbm>> -> memref<1000000xf32, #tpu.memory_space<hbm>>
    tpu.enqueue_indirect_dma source(%dma_start3A_520 : memref<1000000xf32, #tpu.memory_space<hbm>>) target(%dma_start3A_516 : memref<512xf32, #tpu.memory_space<vmem>>) offsets(%dma_start3A_518 : memref<512xi32, #tpu.memory_space<vmem>>) semaphore(%arg11 : memref<!tpu.dma_semaphore, #tpu.memory_space<semaphore_mem>>)
    %get3A = arith.constant 0 : index
    %get3A_521 = tpu.vector_load %arg9[%get3A] {strides = array<i32>} : memref<16xf32, #tpu.memory_space<vmem>>, vector<16xf32>,
    %slice3A = vector.extract_strided_slice %get3A_521 {offsets = [0], sizes = [1], strides = [1]} : vector<16xf32> to vector<1xf32>
    %squeeze3A = vector.extract %slice3A[0] : f32 from vector<1xf32>
    %broadcast_in_dim3A = vector.broadcast %squeeze3A : f32 to vector<16xf32>
    %dma_wait3A_522 = arith.constant 0 : i32
    %dma_wait3A_523 = tpu.memref_slice %arg7[%dma_wait3A_522] : memref<13312xf32, #tpu.memory_space<vmem>> -> memref<512xf32, #tpu.memory_space<vmem>>
    %dma_wait3A_524 = arith.constant 0 : i32
    %dma_wait3A_525 = tpu.memref_slice %arg6[%dma_wait3A_524] : memref<13312xi32, #tpu.memory_space<vmem>> -> memref<512xi32, #tpu.memory_space<vmem>>
    %dma_wait3A_526 = arith.constant 0 : i32
    %dma_wait3A_527 = tpu.memref_slice %arg2[%dma_wait3A_526] : memref<1000000xf32, #tpu.memory_space<hbm>> -> memref<1000000xf32, #tpu.memory_space<hbm>>
    tpu.wait_indirect_dma semaphore(%arg11 : memref<!tpu.dma_semaphore, #tpu.memory_space<semaphore_mem>>) src(%dma_wait3A_527 : memref<1000000xf32, #tpu.memory_space<hbm>>) dst(%dma_wait3A_523 : memref<512xf32, #tpu.memory_space<vmem>>)
    %scan3A = arith.constant 0 : i32
    %scan3A_528 = arith.constant 0 : i32
    %scan3A_529 = arith.constant 32 : i32
    %scan3A_530 = arith.addi %scan3A_528, %scan3A_529 : i32
    %scan3A_531 = arith.constant 1 : i32
    scf.for %scan3A_839 = %scan3A_528 to %scan3A_530 step %scan3A_531  : i32 {
      %mul3A_840 = arith.constant 16 : i32
      %mul3A_841 = arith.muli %scan3A_839, %mul3A_840 : i32
      %get3A_842 = arith.index_cast %mul3A_841 : i32 to index
      %get3A_843 = tpu.vector_load %arg7[%get3A_842] {strides = array<i32>} : memref<13312xf32, #tpu.memory_space<vmem>>, vector<16xf32>,
      %add3A_844 = arith.addf %get3A_843, %broadcast_in_dim3A : vector<16xf32>
      %mul3A_845 = arith.constant 16 : i32
      %mul3A_846 = arith.muli %scan3A_839, %mul3A_845 : i32
      %swap3A = arith.index_cast %mul3A_846 : i32 to index
      %swap3A_847 = tpu.vector_load %arg8[%swap3A] {strides = array<i32>} : memref<512xf32, #tpu.memory_space<vmem>>, vector<16xf32>,
      tpu.vector_store %arg8[%swap3A], %add3A_844 {strides = array<i32>} : memref<512xf32, #tpu.memory_space<vmem>>, vector<16xf32>,
    }
    %scan3A_532 = arith.constant 32 : i32
    %dma_wait3A_533 = arith.constant 512 : i32
    %dma_wait3A_534 = tpu.memref_slice %arg7[%dma_wait3A_533] : memref<13312xf32, #tpu.memory_space<vmem>> -> memref<512xf32, #tpu.memory_space<vmem>>
    %dma_wait3A_535 = arith.constant 512 : i32
    %dma_wait3A_536 = tpu.memref_slice %arg6[%dma_wait3A_535] : memref<13312xi32, #tpu.memory_space<vmem>> -> memref<512xi32, #tpu.memory_space<vmem>>
    %dma_wait3A_537 = arith.constant 0 : i32
    %dma_wait3A_538 = tpu.memref_slice %arg2[%dma_wait3A_537] : memref<1000000xf32, #tpu.memory_space<hbm>> -> memref<1000000xf32, #tpu.memory_space<hbm>>
    tpu.wait_indirect_dma semaphore(%arg11 : memref<!tpu.dma_semaphore, #tpu.memory_space<semaphore_mem>>) src(%dma_wait3A_538 : memref<1000000xf32, #tpu.memory_space<hbm>>) dst(%dma_wait3A_534 : memref<512xf32, #tpu.memory_space<vmem>>)
    %scan3A_539 = arith.constant 0 : i32
    %scan3A_540 = arith.constant 0 : i32
    %scan3A_541 = arith.constant 32 : i32
    %scan3A_542 = arith.addi %scan3A_540, %scan3A_541 : i32
    %scan3A_543 = arith.constant 1 : i32
    scf.for %scan3A_839 = %scan3A_540 to %scan3A_542 step %scan3A_543  : i32 {
      %mul3A_840 = arith.constant 16 : i32
      %mul3A_841 = arith.muli %scan3A_839, %mul3A_840 : i32
      %add3A_842 = arith.constant 512 : i32
      %add3A_843 = arith.addi %add3A_842, %mul3A_841 : i32
      %get3A_844 = arith.index_cast %add3A_843 : i32 to index
      %get3A_845 = tpu.vector_load %arg7[%get3A_844] {strides = array<i32>} : memref<13312xf32, #tpu.memory_space<vmem>>, vector<16xf32>,
      %mul3A_846 = arith.constant 16 : i32
      %mul3A_847 = arith.muli %scan3A_839, %mul3A_846 : i32
      %swap3A = arith.index_cast %mul3A_847 : i32 to index
      %swap3A_848 = tpu.vector_load %arg8[%swap3A] {strides = array<i32>} : memref<512xf32, #tpu.memory_space<vmem>>, vector<16xf32>,
      tpu.vector_store %arg8[%swap3A], %get3A_845 {add = true, strides = array<i32>} : memref<512xf32, #tpu.memory_space<vmem>>, vector<16xf32>,
    }
    %scan3A_544 = arith.constant 32 : i32
    %dma_wait3A_545 = arith.constant 1024 : i32
    %dma_wait3A_546 = tpu.memref_slice %arg7[%dma_wait3A_545] : memref<13312xf32, #tpu.memory_space<vmem>> -> memref<512xf32, #tpu.memory_space<vmem>>
    %dma_wait3A_547 = arith.constant 1024 : i32
    %dma_wait3A_548 = tpu.memref_slice %arg6[%dma_wait3A_547] : memref<13312xi32, #tpu.memory_space<vmem>> -> memref<512xi32, #tpu.memory_space<vmem>>
    %dma_wait3A_549 = arith.constant 0 : i32
    %dma_wait3A_550 = tpu.memref_slice %arg2[%dma_wait3A_549] : memref<1000000xf32, #tpu.memory_space<hbm>> -> memref<1000000xf32, #tpu.memory_space<hbm>>
    tpu.wait_indirect_dma semaphore(%arg11 : memref<!tpu.dma_semaphore, #tpu.memory_space<semaphore_mem>>) src(%dma_wait3A_550 : memref<1000000xf32, #tpu.memory_space<hbm>>) dst(%dma_wait3A_546 : memref<512xf32, #tpu.memory_space<vmem>>)
    %scan3A_551 = arith.constant 0 : i32
    %scan3A_552 = arith.constant 0 : i32
    %scan3A_553 = arith.constant 32 : i32
    %scan3A_554 = arith.addi %scan3A_552, %scan3A_553 : i32
    %scan3A_555 = arith.constant 1 : i32
    scf.for %scan3A_839 = %scan3A_552 to %scan3A_554 step %scan3A_555  : i32 {
      %mul3A_840 = arith.constant 16 : i32
      %mul3A_841 = arith.muli %scan3A_839, %mul3A_840 : i32
      %add3A_842 = arith.constant 1024 : i32
      %add3A_843 = arith.addi %add3A_842, %mul3A_841 : i32
      %get3A_844 = arith.index_cast %add3A_843 : i32 to index
      %get3A_845 = tpu.vector_load %arg7[%get3A_844] {strides = array<i32>} : memref<13312xf32, #tpu.memory_space<vmem>>, vector<16xf32>,
      %mul3A_846 = arith.constant 16 : i32
      %mul3A_847 = arith.muli %scan3A_839, %mul3A_846 : i32
      %swap3A = arith.index_cast %mul3A_847 : i32 to index
      %swap3A_848 = tpu.vector_load %arg8[%swap3A] {strides = array<i32>} : memref<512xf32, #tpu.memory_space<vmem>>, vector<16xf32>,
      tpu.vector_store %arg8[%swap3A], %get3A_845 {add = true, strides = array<i32>} : memref<512xf32, #tpu.memory_space<vmem>>, vector<16xf32>,
    }
    %scan3A_556 = arith.constant 32 : i32
    %dma_wait3A_557 = arith.constant 1536 : i32
    %dma_wait3A_558 = tpu.memref_slice %arg7[%dma_wait3A_557] : memref<13312xf32, #tpu.memory_space<vmem>> -> memref<512xf32, #tpu.memory_space<vmem>>
    %dma_wait3A_559 = arith.constant 1536 : i32
    %dma_wait3A_560 = tpu.memref_slice %arg6[%dma_wait3A_559] : memref<13312xi32, #tpu.memory_space<vmem>> -> memref<512xi32, #tpu.memory_space<vmem>>
    %dma_wait3A_561 = arith.constant 0 : i32
    %dma_wait3A_562 = tpu.memref_slice %arg2[%dma_wait3A_561] : memref<1000000xf32, #tpu.memory_space<hbm>> -> memref<1000000xf32, #tpu.memory_space<hbm>>
    tpu.wait_indirect_dma semaphore(%arg11 : memref<!tpu.dma_semaphore, #tpu.memory_space<semaphore_mem>>) src(%dma_wait3A_562 : memref<1000000xf32, #tpu.memory_space<hbm>>) dst(%dma_wait3A_558 : memref<512xf32, #tpu.memory_space<vmem>>)
    %scan3A_563 = arith.constant 0 : i32
    %scan3A_564 = arith.constant 0 : i32
    %scan3A_565 = arith.constant 32 : i32
    %scan3A_566 = arith.addi %scan3A_564, %scan3A_565 : i32
    %scan3A_567 = arith.constant 1 : i32
    scf.for %scan3A_839 = %scan3A_564 to %scan3A_566 step %scan3A_567  : i32 {
      %mul3A_840 = arith.constant 16 : i32
      %mul3A_841 = arith.muli %scan3A_839, %mul3A_840 : i32
      %add3A_842 = arith.constant 1536 : i32
      %add3A_843 = arith.addi %add3A_842, %mul3A_841 : i32
      %get3A_844 = arith.index_cast %add3A_843 : i32 to index
      %get3A_845 = tpu.vector_load %arg7[%get3A_844] {strides = array<i32>} : memref<13312xf32, #tpu.memory_space<vmem>>, vector<16xf32>,
      %mul3A_846 = arith.constant 16 : i32
      %mul3A_847 = arith.muli %scan3A_839, %mul3A_846 : i32
      %swap3A = arith.index_cast %mul3A_847 : i32 to index
      %swap3A_848 = tpu.vector_load %arg8[%swap3A] {strides = array<i32>} : memref<512xf32, #tpu.memory_space<vmem>>, vector<16xf32>,
      tpu.vector_store %arg8[%swap3A], %get3A_845 {add = true, strides = array<i32>} : memref<512xf32, #tpu.memory_space<vmem>>, vector<16xf32>,
    }
    %scan3A_568 = arith.constant 32 : i32
    %dma_wait3A_569 = arith.constant 2048 : i32
    %dma_wait3A_570 = tpu.memref_slice %arg7[%dma_wait3A_569] : memref<13312xf32, #tpu.memory_space<vmem>> -> memref<512xf32, #tpu.memory_space<vmem>>
    %dma_wait3A_571 = arith.constant 2048 : i32
    %dma_wait3A_572 = tpu.memref_slice %arg6[%dma_wait3A_571] : memref<13312xi32, #tpu.memory_space<vmem>> -> memref<512xi32, #tpu.memory_space<vmem>>
    %dma_wait3A_573 = arith.constant 0 : i32
    %dma_wait3A_574 = tpu.memref_slice %arg2[%dma_wait3A_573] : memref<1000000xf32, #tpu.memory_space<hbm>> -> memref<1000000xf32, #tpu.memory_space<hbm>>
    tpu.wait_indirect_dma semaphore(%arg11 : memref<!tpu.dma_semaphore, #tpu.memory_space<semaphore_mem>>) src(%dma_wait3A_574 : memref<1000000xf32, #tpu.memory_space<hbm>>) dst(%dma_wait3A_570 : memref<512xf32, #tpu.memory_space<vmem>>)
    %scan3A_575 = arith.constant 0 : i32
    %scan3A_576 = arith.constant 0 : i32
    %scan3A_577 = arith.constant 32 : i32
    %scan3A_578 = arith.addi %scan3A_576, %scan3A_577 : i32
    %scan3A_579 = arith.constant 1 : i32
    scf.for %scan3A_839 = %scan3A_576 to %scan3A_578 step %scan3A_579  : i32 {
      %mul3A_840 = arith.constant 16 : i32
      %mul3A_841 = arith.muli %scan3A_839, %mul3A_840 : i32
      %add3A_842 = arith.constant 2048 : i32
      %add3A_843 = arith.addi %add3A_842, %mul3A_841 : i32
      %get3A_844 = arith.index_cast %add3A_843 : i32 to index
      %get3A_845 = tpu.vector_load %arg7[%get3A_844] {strides = array<i32>} : memref<13312xf32, #tpu.memory_space<vmem>>, vector<16xf32>,
      %mul3A_846 = arith.constant 16 : i32
      %mul3A_847 = arith.muli %scan3A_839, %mul3A_846 : i32
      %swap3A = arith.index_cast %mul3A_847 : i32 to index
      %swap3A_848 = tpu.vector_load %arg8[%swap3A] {strides = array<i32>} : memref<512xf32, #tpu.memory_space<vmem>>, vector<16xf32>,
      tpu.vector_store %arg8[%swap3A], %get3A_845 {add = true, strides = array<i32>} : memref<512xf32, #tpu.memory_space<vmem>>, vector<16xf32>,
    }
    %scan3A_580 = arith.constant 32 : i32
    %dma_wait3A_581 = arith.constant 2560 : i32
    %dma_wait3A_582 = tpu.memref_slice %arg7[%dma_wait3A_581] : memref<13312xf32, #tpu.memory_space<vmem>> -> memref<512xf32, #tpu.memory_space<vmem>>
    %dma_wait3A_583 = arith.constant 2560 : i32
    %dma_wait3A_584 = tpu.memref_slice %arg6[%dma_wait3A_583] : memref<13312xi32, #tpu.memory_space<vmem>> -> memref<512xi32, #tpu.memory_space<vmem>>
    %dma_wait3A_585 = arith.constant 0 : i32
    %dma_wait3A_586 = tpu.memref_slice %arg2[%dma_wait3A_585] : memref<1000000xf32, #tpu.memory_space<hbm>> -> memref<1000000xf32, #tpu.memory_space<hbm>>
    tpu.wait_indirect_dma semaphore(%arg11 : memref<!tpu.dma_semaphore, #tpu.memory_space<semaphore_mem>>) src(%dma_wait3A_586 : memref<1000000xf32, #tpu.memory_space<hbm>>) dst(%dma_wait3A_582 : memref<512xf32, #tpu.memory_space<vmem>>)
    %scan3A_587 = arith.constant 0 : i32
    %scan3A_588 = arith.constant 0 : i32
    %scan3A_589 = arith.constant 32 : i32
    %scan3A_590 = arith.addi %scan3A_588, %scan3A_589 : i32
    %scan3A_591 = arith.constant 1 : i32
    scf.for %scan3A_839 = %scan3A_588 to %scan3A_590 step %scan3A_591  : i32 {
      %mul3A_840 = arith.constant 16 : i32
      %mul3A_841 = arith.muli %scan3A_839, %mul3A_840 : i32
      %add3A_842 = arith.constant 2560 : i32
      %add3A_843 = arith.addi %add3A_842, %mul3A_841 : i32
      %get3A_844 = arith.index_cast %add3A_843 : i32 to index
      %get3A_845 = tpu.vector_load %arg7[%get3A_844] {strides = array<i32>} : memref<13312xf32, #tpu.memory_space<vmem>>, vector<16xf32>,
      %mul3A_846 = arith.constant 16 : i32
      %mul3A_847 = arith.muli %scan3A_839, %mul3A_846 : i32
      %swap3A = arith.index_cast %mul3A_847 : i32 to index
      %swap3A_848 = tpu.vector_load %arg8[%swap3A] {strides = array<i32>} : memref<512xf32, #tpu.memory_space<vmem>>, vector<16xf32>,
      tpu.vector_store %arg8[%swap3A], %get3A_845 {add = true, strides = array<i32>} : memref<512xf32, #tpu.memory_space<vmem>>, vector<16xf32>,
    }
    %scan3A_592 = arith.constant 32 : i32
    %dma_wait3A_593 = arith.constant 3072 : i32
    %dma_wait3A_594 = tpu.memref_slice %arg7[%dma_wait3A_593] : memref<13312xf32, #tpu.memory_space<vmem>> -> memref<512xf32, #tpu.memory_space<vmem>>
    %dma_wait3A_595 = arith.constant 3072 : i32
    %dma_wait3A_596 = tpu.memref_slice %arg6[%dma_wait3A_595] : memref<13312xi32, #tpu.memory_space<vmem>> -> memref<512xi32, #tpu.memory_space<vmem>>
    %dma_wait3A_597 = arith.constant 0 : i32
    %dma_wait3A_598 = tpu.memref_slice %arg2[%dma_wait3A_597] : memref<1000000xf32, #tpu.memory_space<hbm>> -> memref<1000000xf32, #tpu.memory_space<hbm>>
    tpu.wait_indirect_dma semaphore(%arg11 : memref<!tpu.dma_semaphore, #tpu.memory_space<semaphore_mem>>) src(%dma_wait3A_598 : memref<1000000xf32, #tpu.memory_space<hbm>>) dst(%dma_wait3A_594 : memref<512xf32, #tpu.memory_space<vmem>>)
    %scan3A_599 = arith.constant 0 : i32
    %scan3A_600 = arith.constant 0 : i32
    %scan3A_601 = arith.constant 32 : i32
    %scan3A_602 = arith.addi %scan3A_600, %scan3A_601 : i32
    %scan3A_603 = arith.constant 1 : i32
    scf.for %scan3A_839 = %scan3A_600 to %scan3A_602 step %scan3A_603  : i32 {
      %mul3A_840 = arith.constant 16 : i32
      %mul3A_841 = arith.muli %scan3A_839, %mul3A_840 : i32
      %add3A_842 = arith.constant 3072 : i32
      %add3A_843 = arith.addi %add3A_842, %mul3A_841 : i32
      %get3A_844 = arith.index_cast %add3A_843 : i32 to index
      %get3A_845 = tpu.vector_load %arg7[%get3A_844] {strides = array<i32>} : memref<13312xf32, #tpu.memory_space<vmem>>, vector<16xf32>,
      %mul3A_846 = arith.constant 16 : i32
      %mul3A_847 = arith.muli %scan3A_839, %mul3A_846 : i32
      %swap3A = arith.index_cast %mul3A_847 : i32 to index
      %swap3A_848 = tpu.vector_load %arg8[%swap3A] {strides = array<i32>} : memref<512xf32, #tpu.memory_space<vmem>>, vector<16xf32>,
      tpu.vector_store %arg8[%swap3A], %get3A_845 {add = true, strides = array<i32>} : memref<512xf32, #tpu.memory_space<vmem>>, vector<16xf32>,
    }
    %scan3A_604 = arith.constant 32 : i32
    %dma_wait3A_605 = arith.constant 3584 : i32
    %dma_wait3A_606 = tpu.memref_slice %arg7[%dma_wait3A_605] : memref<13312xf32, #tpu.memory_space<vmem>> -> memref<512xf32, #tpu.memory_space<vmem>>
    %dma_wait3A_607 = arith.constant 3584 : i32
    %dma_wait3A_608 = tpu.memref_slice %arg6[%dma_wait3A_607] : memref<13312xi32, #tpu.memory_space<vmem>> -> memref<512xi32, #tpu.memory_space<vmem>>
    %dma_wait3A_609 = arith.constant 0 : i32
    %dma_wait3A_610 = tpu.memref_slice %arg2[%dma_wait3A_609] : memref<1000000xf32, #tpu.memory_space<hbm>> -> memref<1000000xf32, #tpu.memory_space<hbm>>
    tpu.wait_indirect_dma semaphore(%arg11 : memref<!tpu.dma_semaphore, #tpu.memory_space<semaphore_mem>>) src(%dma_wait3A_610 : memref<1000000xf32, #tpu.memory_space<hbm>>) dst(%dma_wait3A_606 : memref<512xf32, #tpu.memory_space<vmem>>)
    %scan3A_611 = arith.constant 0 : i32
    %scan3A_612 = arith.constant 0 : i32
    %scan3A_613 = arith.constant 32 : i32
    %scan3A_614 = arith.addi %scan3A_612, %scan3A_613 : i32
    %scan3A_615 = arith.constant 1 : i32
    scf.for %scan3A_839 = %scan3A_612 to %scan3A_614 step %scan3A_615  : i32 {
      %mul3A_840 = arith.constant 16 : i32
      %mul3A_841 = arith.muli %scan3A_839, %mul3A_840 : i32
      %add3A_842 = arith.constant 3584 : i32
      %add3A_843 = arith.addi %add3A_842, %mul3A_841 : i32
      %get3A_844 = arith.index_cast %add3A_843 : i32 to index
      %get3A_845 = tpu.vector_load %arg7[%get3A_844] {strides = array<i32>} : memref<13312xf32, #tpu.memory_space<vmem>>, vector<16xf32>,
      %mul3A_846 = arith.constant 16 : i32
      %mul3A_847 = arith.muli %scan3A_839, %mul3A_846 : i32
      %swap3A = arith.index_cast %mul3A_847 : i32 to index
      %swap3A_848 = tpu.vector_load %arg8[%swap3A] {strides = array<i32>} : memref<512xf32, #tpu.memory_space<vmem>>, vector<16xf32>,
      tpu.vector_store %arg8[%swap3A], %get3A_845 {add = true, strides = array<i32>} : memref<512xf32, #tpu.memory_space<vmem>>, vector<16xf32>,
    }
    %scan3A_616 = arith.constant 32 : i32
    %dma_wait3A_617 = arith.constant 4096 : i32
    %dma_wait3A_618 = tpu.memref_slice %arg7[%dma_wait3A_617] : memref<13312xf32, #tpu.memory_space<vmem>> -> memref<512xf32, #tpu.memory_space<vmem>>
    %dma_wait3A_619 = arith.constant 4096 : i32
    %dma_wait3A_620 = tpu.memref_slice %arg6[%dma_wait3A_619] : memref<13312xi32, #tpu.memory_space<vmem>> -> memref<512xi32, #tpu.memory_space<vmem>>
    %dma_wait3A_621 = arith.constant 0 : i32
    %dma_wait3A_622 = tpu.memref_slice %arg2[%dma_wait3A_621] : memref<1000000xf32, #tpu.memory_space<hbm>> -> memref<1000000xf32, #tpu.memory_space<hbm>>
    tpu.wait_indirect_dma semaphore(%arg11 : memref<!tpu.dma_semaphore, #tpu.memory_space<semaphore_mem>>) src(%dma_wait3A_622 : memref<1000000xf32, #tpu.memory_space<hbm>>) dst(%dma_wait3A_618 : memref<512xf32, #tpu.memory_space<vmem>>)
    %scan3A_623 = arith.constant 0 : i32
    %scan3A_624 = arith.constant 0 : i32
    %scan3A_625 = arith.constant 32 : i32
    %scan3A_626 = arith.addi %scan3A_624, %scan3A_625 : i32
    %scan3A_627 = arith.constant 1 : i32
    scf.for %scan3A_839 = %scan3A_624 to %scan3A_626 step %scan3A_627  : i32 {
      %mul3A_840 = arith.constant 16 : i32
      %mul3A_841 = arith.muli %scan3A_839, %mul3A_840 : i32
      %add3A_842 = arith.constant 4096 : i32
      %add3A_843 = arith.addi %add3A_842, %mul3A_841 : i32
      %get3A_844 = arith.index_cast %add3A_843 : i32 to index
      %get3A_845 = tpu.vector_load %arg7[%get3A_844] {strides = array<i32>} : memref<13312xf32, #tpu.memory_space<vmem>>, vector<16xf32>,
      %mul3A_846 = arith.constant 16 : i32
      %mul3A_847 = arith.muli %scan3A_839, %mul3A_846 : i32
      %swap3A = arith.index_cast %mul3A_847 : i32 to index
      %swap3A_848 = tpu.vector_load %arg8[%swap3A] {strides = array<i32>} : memref<512xf32, #tpu.memory_space<vmem>>, vector<16xf32>,
      tpu.vector_store %arg8[%swap3A], %get3A_845 {add = true, strides = array<i32>} : memref<512xf32, #tpu.memory_space<vmem>>, vector<16xf32>,
    }
    %scan3A_628 = arith.constant 32 : i32
    %dma_wait3A_629 = arith.constant 4608 : i32
    %dma_wait3A_630 = tpu.memref_slice %arg7[%dma_wait3A_629] : memref<13312xf32, #tpu.memory_space<vmem>> -> memref<512xf32, #tpu.memory_space<vmem>>
    %dma_wait3A_631 = arith.constant 4608 : i32
    %dma_wait3A_632 = tpu.memref_slice %arg6[%dma_wait3A_631] : memref<13312xi32, #tpu.memory_space<vmem>> -> memref<512xi32, #tpu.memory_space<vmem>>
    %dma_wait3A_633 = arith.constant 0 : i32
    %dma_wait3A_634 = tpu.memref_slice %arg2[%dma_wait3A_633] : memref<1000000xf32, #tpu.memory_space<hbm>> -> memref<1000000xf32, #tpu.memory_space<hbm>>
    tpu.wait_indirect_dma semaphore(%arg11 : memref<!tpu.dma_semaphore, #tpu.memory_space<semaphore_mem>>) src(%dma_wait3A_634 : memref<1000000xf32, #tpu.memory_space<hbm>>) dst(%dma_wait3A_630 : memref<512xf32, #tpu.memory_space<vmem>>)
    %scan3A_635 = arith.constant 0 : i32
    %scan3A_636 = arith.constant 0 : i32
    %scan3A_637 = arith.constant 32 : i32
    %scan3A_638 = arith.addi %scan3A_636, %scan3A_637 : i32
    %scan3A_639 = arith.constant 1 : i32
    scf.for %scan3A_839 = %scan3A_636 to %scan3A_638 step %scan3A_639  : i32 {
      %mul3A_840 = arith.constant 16 : i32
      %mul3A_841 = arith.muli %scan3A_839, %mul3A_840 : i32
      %add3A_842 = arith.constant 4608 : i32
      %add3A_843 = arith.addi %add3A_842, %mul3A_841 : i32
      %get3A_844 = arith.index_cast %add3A_843 : i32 to index
      %get3A_845 = tpu.vector_load %arg7[%get3A_844] {strides = array<i32>} : memref<13312xf32, #tpu.memory_space<vmem>>, vector<16xf32>,
      %mul3A_846 = arith.constant 16 : i32
      %mul3A_847 = arith.muli %scan3A_839, %mul3A_846 : i32
      %swap3A = arith.index_cast %mul3A_847 : i32 to index
      %swap3A_848 = tpu.vector_load %arg8[%swap3A] {strides = array<i32>} : memref<512xf32, #tpu.memory_space<vmem>>, vector<16xf32>,
      tpu.vector_store %arg8[%swap3A], %get3A_845 {add = true, strides = array<i32>} : memref<512xf32, #tpu.memory_space<vmem>>, vector<16xf32>,
    }
    %scan3A_640 = arith.constant 32 : i32
    %dma_wait3A_641 = arith.constant 5120 : i32
    %dma_wait3A_642 = tpu.memref_slice %arg7[%dma_wait3A_641] : memref<13312xf32, #tpu.memory_space<vmem>> -> memref<512xf32, #tpu.memory_space<vmem>>
    %dma_wait3A_643 = arith.constant 5120 : i32
    %dma_wait3A_644 = tpu.memref_slice %arg6[%dma_wait3A_643] : memref<13312xi32, #tpu.memory_space<vmem>> -> memref<512xi32, #tpu.memory_space<vmem>>
    %dma_wait3A_645 = arith.constant 0 : i32
    %dma_wait3A_646 = tpu.memref_slice %arg2[%dma_wait3A_645] : memref<1000000xf32, #tpu.memory_space<hbm>> -> memref<1000000xf32, #tpu.memory_space<hbm>>
    tpu.wait_indirect_dma semaphore(%arg11 : memref<!tpu.dma_semaphore, #tpu.memory_space<semaphore_mem>>) src(%dma_wait3A_646 : memref<1000000xf32, #tpu.memory_space<hbm>>) dst(%dma_wait3A_642 : memref<512xf32, #tpu.memory_space<vmem>>)
    %scan3A_647 = arith.constant 0 : i32
    %scan3A_648 = arith.constant 0 : i32
    %scan3A_649 = arith.constant 32 : i32
    %scan3A_650 = arith.addi %scan3A_648, %scan3A_649 : i32
    %scan3A_651 = arith.constant 1 : i32
    scf.for %scan3A_839 = %scan3A_648 to %scan3A_650 step %scan3A_651  : i32 {
      %mul3A_840 = arith.constant 16 : i32
      %mul3A_841 = arith.muli %scan3A_839, %mul3A_840 : i32
      %add3A_842 = arith.constant 5120 : i32
      %add3A_843 = arith.addi %add3A_842, %mul3A_841 : i32
      %get3A_844 = arith.index_cast %add3A_843 : i32 to index
      %get3A_845 = tpu.vector_load %arg7[%get3A_844] {strides = array<i32>} : memref<13312xf32, #tpu.memory_space<vmem>>, vector<16xf32>,
      %mul3A_846 = arith.constant 16 : i32
      %mul3A_847 = arith.muli %scan3A_839, %mul3A_846 : i32
      %swap3A = arith.index_cast %mul3A_847 : i32 to index
      %swap3A_848 = tpu.vector_load %arg8[%swap3A] {strides = array<i32>} : memref<512xf32, #tpu.memory_space<vmem>>, vector<16xf32>,
      tpu.vector_store %arg8[%swap3A], %get3A_845 {add = true, strides = array<i32>} : memref<512xf32, #tpu.memory_space<vmem>>, vector<16xf32>,
    }
    %scan3A_652 = arith.constant 32 : i32
    %dma_wait3A_653 = arith.constant 5632 : i32
    %dma_wait3A_654 = tpu.memref_slice %arg7[%dma_wait3A_653] : memref<13312xf32, #tpu.memory_space<vmem>> -> memref<512xf32, #tpu.memory_space<vmem>>
    %dma_wait3A_655 = arith.constant 5632 : i32
    %dma_wait3A_656 = tpu.memref_slice %arg6[%dma_wait3A_655] : memref<13312xi32, #tpu.memory_space<vmem>> -> memref<512xi32, #tpu.memory_space<vmem>>
    %dma_wait3A_657 = arith.constant 0 : i32
    %dma_wait3A_658 = tpu.memref_slice %arg2[%dma_wait3A_657] : memref<1000000xf32, #tpu.memory_space<hbm>> -> memref<1000000xf32, #tpu.memory_space<hbm>>
    tpu.wait_indirect_dma semaphore(%arg11 : memref<!tpu.dma_semaphore, #tpu.memory_space<semaphore_mem>>) src(%dma_wait3A_658 : memref<1000000xf32, #tpu.memory_space<hbm>>) dst(%dma_wait3A_654 : memref<512xf32, #tpu.memory_space<vmem>>)
    %scan3A_659 = arith.constant 0 : i32
    %scan3A_660 = arith.constant 0 : i32
    %scan3A_661 = arith.constant 32 : i32
    %scan3A_662 = arith.addi %scan3A_660, %scan3A_661 : i32
    %scan3A_663 = arith.constant 1 : i32
    scf.for %scan3A_839 = %scan3A_660 to %scan3A_662 step %scan3A_663  : i32 {
      %mul3A_840 = arith.constant 16 : i32
      %mul3A_841 = arith.muli %scan3A_839, %mul3A_840 : i32
      %add3A_842 = arith.constant 5632 : i32
      %add3A_843 = arith.addi %add3A_842, %mul3A_841 : i32
      %get3A_844 = arith.index_cast %add3A_843 : i32 to index
      %get3A_845 = tpu.vector_load %arg7[%get3A_844] {strides = array<i32>} : memref<13312xf32, #tpu.memory_space<vmem>>, vector<16xf32>,
      %mul3A_846 = arith.constant 16 : i32
      %mul3A_847 = arith.muli %scan3A_839, %mul3A_846 : i32
      %swap3A = arith.index_cast %mul3A_847 : i32 to index
      %swap3A_848 = tpu.vector_load %arg8[%swap3A] {strides = array<i32>} : memref<512xf32, #tpu.memory_space<vmem>>, vector<16xf32>,
      tpu.vector_store %arg8[%swap3A], %get3A_845 {add = true, strides = array<i32>} : memref<512xf32, #tpu.memory_space<vmem>>, vector<16xf32>,
    }
    %scan3A_664 = arith.constant 32 : i32
    %dma_wait3A_665 = arith.constant 6144 : i32
    %dma_wait3A_666 = tpu.memref_slice %arg7[%dma_wait3A_665] : memref<13312xf32, #tpu.memory_space<vmem>> -> memref<512xf32, #tpu.memory_space<vmem>>
    %dma_wait3A_667 = arith.constant 6144 : i32
    %dma_wait3A_668 = tpu.memref_slice %arg6[%dma_wait3A_667] : memref<13312xi32, #tpu.memory_space<vmem>> -> memref<512xi32, #tpu.memory_space<vmem>>
    %dma_wait3A_669 = arith.constant 0 : i32
    %dma_wait3A_670 = tpu.memref_slice %arg2[%dma_wait3A_669] : memref<1000000xf32, #tpu.memory_space<hbm>> -> memref<1000000xf32, #tpu.memory_space<hbm>>
    tpu.wait_indirect_dma semaphore(%arg11 : memref<!tpu.dma_semaphore, #tpu.memory_space<semaphore_mem>>) src(%dma_wait3A_670 : memref<1000000xf32, #tpu.memory_space<hbm>>) dst(%dma_wait3A_666 : memref<512xf32, #tpu.memory_space<vmem>>)
    %scan3A_671 = arith.constant 0 : i32
    %scan3A_672 = arith.constant 0 : i32
    %scan3A_673 = arith.constant 32 : i32
    %scan3A_674 = arith.addi %scan3A_672, %scan3A_673 : i32
    %scan3A_675 = arith.constant 1 : i32
    scf.for %scan3A_839 = %scan3A_672 to %scan3A_674 step %scan3A_675  : i32 {
      %mul3A_840 = arith.constant 16 : i32
      %mul3A_841 = arith.muli %scan3A_839, %mul3A_840 : i32
      %add3A_842 = arith.constant 6144 : i32
      %add3A_843 = arith.addi %add3A_842, %mul3A_841 : i32
      %get3A_844 = arith.index_cast %add3A_843 : i32 to index
      %get3A_845 = tpu.vector_load %arg7[%get3A_844] {strides = array<i32>} : memref<13312xf32, #tpu.memory_space<vmem>>, vector<16xf32>,
      %mul3A_846 = arith.constant 16 : i32
      %mul3A_847 = arith.muli %scan3A_839, %mul3A_846 : i32
      %swap3A = arith.index_cast %mul3A_847 : i32 to index
      %swap3A_848 = tpu.vector_load %arg8[%swap3A] {strides = array<i32>} : memref<512xf32, #tpu.memory_space<vmem>>, vector<16xf32>,
      tpu.vector_store %arg8[%swap3A], %get3A_845 {add = true, strides = array<i32>} : memref<512xf32, #tpu.memory_space<vmem>>, vector<16xf32>,
    }
    %scan3A_676 = arith.constant 32 : i32
    %dma_wait3A_677 = arith.constant 6656 : i32
    %dma_wait3A_678 = tpu.memref_slice %arg7[%dma_wait3A_677] : memref<13312xf32, #tpu.memory_space<vmem>> -> memref<512xf32, #tpu.memory_space<vmem>>
    %dma_wait3A_679 = arith.constant 6656 : i32
    %dma_wait3A_680 = tpu.memref_slice %arg6[%dma_wait3A_679] : memref<13312xi32, #tpu.memory_space<vmem>> -> memref<512xi32, #tpu.memory_space<vmem>>
    %dma_wait3A_681 = arith.constant 0 : i32
    %dma_wait3A_682 = tpu.memref_slice %arg2[%dma_wait3A_681] : memref<1000000xf32, #tpu.memory_space<hbm>> -> memref<1000000xf32, #tpu.memory_space<hbm>>
    tpu.wait_indirect_dma semaphore(%arg11 : memref<!tpu.dma_semaphore, #tpu.memory_space<semaphore_mem>>) src(%dma_wait3A_682 : memref<1000000xf32, #tpu.memory_space<hbm>>) dst(%dma_wait3A_678 : memref<512xf32, #tpu.memory_space<vmem>>)
    %scan3A_683 = arith.constant 0 : i32
    %scan3A_684 = arith.constant 0 : i32
    %scan3A_685 = arith.constant 32 : i32
    %scan3A_686 = arith.addi %scan3A_684, %scan3A_685 : i32
    %scan3A_687 = arith.constant 1 : i32
    scf.for %scan3A_839 = %scan3A_684 to %scan3A_686 step %scan3A_687  : i32 {
      %mul3A_840 = arith.constant 16 : i32
      %mul3A_841 = arith.muli %scan3A_839, %mul3A_840 : i32
      %add3A_842 = arith.constant 6656 : i32
      %add3A_843 = arith.addi %add3A_842, %mul3A_841 : i32
      %get3A_844 = arith.index_cast %add3A_843 : i32 to index
      %get3A_845 = tpu.vector_load %arg7[%get3A_844] {strides = array<i32>} : memref<13312xf32, #tpu.memory_space<vmem>>, vector<16xf32>,
      %mul3A_846 = arith.constant 16 : i32
      %mul3A_847 = arith.muli %scan3A_839, %mul3A_846 : i32
      %swap3A = arith.index_cast %mul3A_847 : i32 to index
      %swap3A_848 = tpu.vector_load %arg8[%swap3A] {strides = array<i32>} : memref<512xf32, #tpu.memory_space<vmem>>, vector<16xf32>,
      tpu.vector_store %arg8[%swap3A], %get3A_845 {add = true, strides = array<i32>} : memref<512xf32, #tpu.memory_space<vmem>>, vector<16xf32>,
    }
    %scan3A_688 = arith.constant 32 : i32
    %dma_wait3A_689 = arith.constant 7168 : i32
    %dma_wait3A_690 = tpu.memref_slice %arg7[%dma_wait3A_689] : memref<13312xf32, #tpu.memory_space<vmem>> -> memref<512xf32, #tpu.memory_space<vmem>>
    %dma_wait3A_691 = arith.constant 7168 : i32
    %dma_wait3A_692 = tpu.memref_slice %arg6[%dma_wait3A_691] : memref<13312xi32, #tpu.memory_space<vmem>> -> memref<512xi32, #tpu.memory_space<vmem>>
    %dma_wait3A_693 = arith.constant 0 : i32
    %dma_wait3A_694 = tpu.memref_slice %arg2[%dma_wait3A_693] : memref<1000000xf32, #tpu.memory_space<hbm>> -> memref<1000000xf32, #tpu.memory_space<hbm>>
    tpu.wait_indirect_dma semaphore(%arg11 : memref<!tpu.dma_semaphore, #tpu.memory_space<semaphore_mem>>) src(%dma_wait3A_694 : memref<1000000xf32, #tpu.memory_space<hbm>>) dst(%dma_wait3A_690 : memref<512xf32, #tpu.memory_space<vmem>>)
    %scan3A_695 = arith.constant 0 : i32
    %scan3A_696 = arith.constant 0 : i32
    %scan3A_697 = arith.constant 32 : i32
    %scan3A_698 = arith.addi %scan3A_696, %scan3A_697 : i32
    %scan3A_699 = arith.constant 1 : i32
    scf.for %scan3A_839 = %scan3A_696 to %scan3A_698 step %scan3A_699  : i32 {
      %mul3A_840 = arith.constant 16 : i32
      %mul3A_841 = arith.muli %scan3A_839, %mul3A_840 : i32
      %add3A_842 = arith.constant 7168 : i32
      %add3A_843 = arith.addi %add3A_842, %mul3A_841 : i32
      %get3A_844 = arith.index_cast %add3A_843 : i32 to index
      %get3A_845 = tpu.vector_load %arg7[%get3A_844] {strides = array<i32>} : memref<13312xf32, #tpu.memory_space<vmem>>, vector<16xf32>,
      %mul3A_846 = arith.constant 16 : i32
      %mul3A_847 = arith.muli %scan3A_839, %mul3A_846 : i32
      %swap3A = arith.index_cast %mul3A_847 : i32 to index
      %swap3A_848 = tpu.vector_load %arg8[%swap3A] {strides = array<i32>} : memref<512xf32, #tpu.memory_space<vmem>>, vector<16xf32>,
      tpu.vector_store %arg8[%swap3A], %get3A_845 {add = true, strides = array<i32>} : memref<512xf32, #tpu.memory_space<vmem>>, vector<16xf32>,
    }
    %scan3A_700 = arith.constant 32 : i32
    %dma_wait3A_701 = arith.constant 7680 : i32
    %dma_wait3A_702 = tpu.memref_slice %arg7[%dma_wait3A_701] : memref<13312xf32, #tpu.memory_space<vmem>> -> memref<512xf32, #tpu.memory_space<vmem>>
    %dma_wait3A_703 = arith.constant 7680 : i32
    %dma_wait3A_704 = tpu.memref_slice %arg6[%dma_wait3A_703] : memref<13312xi32, #tpu.memory_space<vmem>> -> memref<512xi32, #tpu.memory_space<vmem>>
    %dma_wait3A_705 = arith.constant 0 : i32
    %dma_wait3A_706 = tpu.memref_slice %arg2[%dma_wait3A_705] : memref<1000000xf32, #tpu.memory_space<hbm>> -> memref<1000000xf32, #tpu.memory_space<hbm>>
    tpu.wait_indirect_dma semaphore(%arg11 : memref<!tpu.dma_semaphore, #tpu.memory_space<semaphore_mem>>) src(%dma_wait3A_706 : memref<1000000xf32, #tpu.memory_space<hbm>>) dst(%dma_wait3A_702 : memref<512xf32, #tpu.memory_space<vmem>>)
    %scan3A_707 = arith.constant 0 : i32
    %scan3A_708 = arith.constant 0 : i32
    %scan3A_709 = arith.constant 32 : i32
    %scan3A_710 = arith.addi %scan3A_708, %scan3A_709 : i32
    %scan3A_711 = arith.constant 1 : i32
    scf.for %scan3A_839 = %scan3A_708 to %scan3A_710 step %scan3A_711  : i32 {
      %mul3A_840 = arith.constant 16 : i32
      %mul3A_841 = arith.muli %scan3A_839, %mul3A_840 : i32
      %add3A_842 = arith.constant 7680 : i32
      %add3A_843 = arith.addi %add3A_842, %mul3A_841 : i32
      %get3A_844 = arith.index_cast %add3A_843 : i32 to index
      %get3A_845 = tpu.vector_load %arg7[%get3A_844] {strides = array<i32>} : memref<13312xf32, #tpu.memory_space<vmem>>, vector<16xf32>,
      %mul3A_846 = arith.constant 16 : i32
      %mul3A_847 = arith.muli %scan3A_839, %mul3A_846 : i32
      %swap3A = arith.index_cast %mul3A_847 : i32 to index
      %swap3A_848 = tpu.vector_load %arg8[%swap3A] {strides = array<i32>} : memref<512xf32, #tpu.memory_space<vmem>>, vector<16xf32>,
      tpu.vector_store %arg8[%swap3A], %get3A_845 {add = true, strides = array<i32>} : memref<512xf32, #tpu.memory_space<vmem>>, vector<16xf32>,
    }
    %scan3A_712 = arith.constant 32 : i32
    %dma_wait3A_713 = arith.constant 8192 : i32
    %dma_wait3A_714 = tpu.memref_slice %arg7[%dma_wait3A_713] : memref<13312xf32, #tpu.memory_space<vmem>> -> memref<512xf32, #tpu.memory_space<vmem>>
    %dma_wait3A_715 = arith.constant 8192 : i32
    %dma_wait3A_716 = tpu.memref_slice %arg6[%dma_wait3A_715] : memref<13312xi32, #tpu.memory_space<vmem>> -> memref<512xi32, #tpu.memory_space<vmem>>
    %dma_wait3A_717 = arith.constant 0 : i32
    %dma_wait3A_718 = tpu.memref_slice %arg2[%dma_wait3A_717] : memref<1000000xf32, #tpu.memory_space<hbm>> -> memref<1000000xf32, #tpu.memory_space<hbm>>
    tpu.wait_indirect_dma semaphore(%arg11 : memref<!tpu.dma_semaphore, #tpu.memory_space<semaphore_mem>>) src(%dma_wait3A_718 : memref<1000000xf32, #tpu.memory_space<hbm>>) dst(%dma_wait3A_714 : memref<512xf32, #tpu.memory_space<vmem>>)
    %scan3A_719 = arith.constant 0 : i32
    %scan3A_720 = arith.constant 0 : i32
    %scan3A_721 = arith.constant 32 : i32
    %scan3A_722 = arith.addi %scan3A_720, %scan3A_721 : i32
    %scan3A_723 = arith.constant 1 : i32
    scf.for %scan3A_839 = %scan3A_720 to %scan3A_722 step %scan3A_723  : i32 {
      %mul3A_840 = arith.constant 16 : i32
      %mul3A_841 = arith.muli %scan3A_839, %mul3A_840 : i32
      %add3A_842 = arith.constant 8192 : i32
      %add3A_843 = arith.addi %add3A_842, %mul3A_841 : i32
      %get3A_844 = arith.index_cast %add3A_843 : i32 to index
      %get3A_845 = tpu.vector_load %arg7[%get3A_844] {strides = array<i32>} : memref<13312xf32, #tpu.memory_space<vmem>>, vector<16xf32>,
      %mul3A_846 = arith.constant 16 : i32
      %mul3A_847 = arith.muli %scan3A_839, %mul3A_846 : i32
      %swap3A = arith.index_cast %mul3A_847 : i32 to index
      %swap3A_848 = tpu.vector_load %arg8[%swap3A] {strides = array<i32>} : memref<512xf32, #tpu.memory_space<vmem>>, vector<16xf32>,
      tpu.vector_store %arg8[%swap3A], %get3A_845 {add = true, strides = array<i32>} : memref<512xf32, #tpu.memory_space<vmem>>, vector<16xf32>,
    }
    %scan3A_724 = arith.constant 32 : i32
    %dma_wait3A_725 = arith.constant 8704 : i32
    %dma_wait3A_726 = tpu.memref_slice %arg7[%dma_wait3A_725] : memref<13312xf32, #tpu.memory_space<vmem>> -> memref<512xf32, #tpu.memory_space<vmem>>
    %dma_wait3A_727 = arith.constant 8704 : i32
    %dma_wait3A_728 = tpu.memref_slice %arg6[%dma_wait3A_727] : memref<13312xi32, #tpu.memory_space<vmem>> -> memref<512xi32, #tpu.memory_space<vmem>>
    %dma_wait3A_729 = arith.constant 0 : i32
    %dma_wait3A_730 = tpu.memref_slice %arg2[%dma_wait3A_729] : memref<1000000xf32, #tpu.memory_space<hbm>> -> memref<1000000xf32, #tpu.memory_space<hbm>>
    tpu.wait_indirect_dma semaphore(%arg11 : memref<!tpu.dma_semaphore, #tpu.memory_space<semaphore_mem>>) src(%dma_wait3A_730 : memref<1000000xf32, #tpu.memory_space<hbm>>) dst(%dma_wait3A_726 : memref<512xf32, #tpu.memory_space<vmem>>)
    %scan3A_731 = arith.constant 0 : i32
    %scan3A_732 = arith.constant 0 : i32
    %scan3A_733 = arith.constant 32 : i32
    %scan3A_734 = arith.addi %scan3A_732, %scan3A_733 : i32
    %scan3A_735 = arith.constant 1 : i32
    scf.for %scan3A_839 = %scan3A_732 to %scan3A_734 step %scan3A_735  : i32 {
      %mul3A_840 = arith.constant 16 : i32
      %mul3A_841 = arith.muli %scan3A_839, %mul3A_840 : i32
      %add3A_842 = arith.constant 8704 : i32
      %add3A_843 = arith.addi %add3A_842, %mul3A_841 : i32
      %get3A_844 = arith.index_cast %add3A_843 : i32 to index
      %get3A_845 = tpu.vector_load %arg7[%get3A_844] {strides = array<i32>} : memref<13312xf32, #tpu.memory_space<vmem>>, vector<16xf32>,
      %mul3A_846 = arith.constant 16 : i32
      %mul3A_847 = arith.muli %scan3A_839, %mul3A_846 : i32
      %swap3A = arith.index_cast %mul3A_847 : i32 to index
      %swap3A_848 = tpu.vector_load %arg8[%swap3A] {strides = array<i32>} : memref<512xf32, #tpu.memory_space<vmem>>, vector<16xf32>,
      tpu.vector_store %arg8[%swap3A], %get3A_845 {add = true, strides = array<i32>} : memref<512xf32, #tpu.memory_space<vmem>>, vector<16xf32>,
    }
    %scan3A_736 = arith.constant 32 : i32
    %dma_wait3A_737 = arith.constant 9216 : i32
    %dma_wait3A_738 = tpu.memref_slice %arg7[%dma_wait3A_737] : memref<13312xf32, #tpu.memory_space<vmem>> -> memref<512xf32, #tpu.memory_space<vmem>>
    %dma_wait3A_739 = arith.constant 9216 : i32
    %dma_wait3A_740 = tpu.memref_slice %arg6[%dma_wait3A_739] : memref<13312xi32, #tpu.memory_space<vmem>> -> memref<512xi32, #tpu.memory_space<vmem>>
    %dma_wait3A_741 = arith.constant 0 : i32
    %dma_wait3A_742 = tpu.memref_slice %arg2[%dma_wait3A_741] : memref<1000000xf32, #tpu.memory_space<hbm>> -> memref<1000000xf32, #tpu.memory_space<hbm>>
    tpu.wait_indirect_dma semaphore(%arg11 : memref<!tpu.dma_semaphore, #tpu.memory_space<semaphore_mem>>) src(%dma_wait3A_742 : memref<1000000xf32, #tpu.memory_space<hbm>>) dst(%dma_wait3A_738 : memref<512xf32, #tpu.memory_space<vmem>>)
    %scan3A_743 = arith.constant 0 : i32
    %scan3A_744 = arith.constant 0 : i32
    %scan3A_745 = arith.constant 32 : i32
    %scan3A_746 = arith.addi %scan3A_744, %scan3A_745 : i32
    %scan3A_747 = arith.constant 1 : i32
    scf.for %scan3A_839 = %scan3A_744 to %scan3A_746 step %scan3A_747  : i32 {
      %mul3A_840 = arith.constant 16 : i32
      %mul3A_841 = arith.muli %scan3A_839, %mul3A_840 : i32
      %add3A_842 = arith.constant 9216 : i32
      %add3A_843 = arith.addi %add3A_842, %mul3A_841 : i32
      %get3A_844 = arith.index_cast %add3A_843 : i32 to index
      %get3A_845 = tpu.vector_load %arg7[%get3A_844] {strides = array<i32>} : memref<13312xf32, #tpu.memory_space<vmem>>, vector<16xf32>,
      %mul3A_846 = arith.constant 16 : i32
      %mul3A_847 = arith.muli %scan3A_839, %mul3A_846 : i32
      %swap3A = arith.index_cast %mul3A_847 : i32 to index
      %swap3A_848 = tpu.vector_load %arg8[%swap3A] {strides = array<i32>} : memref<512xf32, #tpu.memory_space<vmem>>, vector<16xf32>,
      tpu.vector_store %arg8[%swap3A], %get3A_845 {add = true, strides = array<i32>} : memref<512xf32, #tpu.memory_space<vmem>>, vector<16xf32>,
    }
    %scan3A_748 = arith.constant 32 : i32
    %dma_wait3A_749 = arith.constant 9728 : i32
    %dma_wait3A_750 = tpu.memref_slice %arg7[%dma_wait3A_749] : memref<13312xf32, #tpu.memory_space<vmem>> -> memref<512xf32, #tpu.memory_space<vmem>>
    %dma_wait3A_751 = arith.constant 9728 : i32
    %dma_wait3A_752 = tpu.memref_slice %arg6[%dma_wait3A_751] : memref<13312xi32, #tpu.memory_space<vmem>> -> memref<512xi32, #tpu.memory_space<vmem>>
    %dma_wait3A_753 = arith.constant 0 : i32
    %dma_wait3A_754 = tpu.memref_slice %arg2[%dma_wait3A_753] : memref<1000000xf32, #tpu.memory_space<hbm>> -> memref<1000000xf32, #tpu.memory_space<hbm>>
    tpu.wait_indirect_dma semaphore(%arg11 : memref<!tpu.dma_semaphore, #tpu.memory_space<semaphore_mem>>) src(%dma_wait3A_754 : memref<1000000xf32, #tpu.memory_space<hbm>>) dst(%dma_wait3A_750 : memref<512xf32, #tpu.memory_space<vmem>>)
    %scan3A_755 = arith.constant 0 : i32
    %scan3A_756 = arith.constant 0 : i32
    %scan3A_757 = arith.constant 32 : i32
    %scan3A_758 = arith.addi %scan3A_756, %scan3A_757 : i32
    %scan3A_759 = arith.constant 1 : i32
    scf.for %scan3A_839 = %scan3A_756 to %scan3A_758 step %scan3A_759  : i32 {
      %mul3A_840 = arith.constant 16 : i32
      %mul3A_841 = arith.muli %scan3A_839, %mul3A_840 : i32
      %add3A_842 = arith.constant 9728 : i32
      %add3A_843 = arith.addi %add3A_842, %mul3A_841 : i32
      %get3A_844 = arith.index_cast %add3A_843 : i32 to index
      %get3A_845 = tpu.vector_load %arg7[%get3A_844] {strides = array<i32>} : memref<13312xf32, #tpu.memory_space<vmem>>, vector<16xf32>,
      %mul3A_846 = arith.constant 16 : i32
      %mul3A_847 = arith.muli %scan3A_839, %mul3A_846 : i32
      %swap3A = arith.index_cast %mul3A_847 : i32 to index
      %swap3A_848 = tpu.vector_load %arg8[%swap3A] {strides = array<i32>} : memref<512xf32, #tpu.memory_space<vmem>>, vector<16xf32>,
      tpu.vector_store %arg8[%swap3A], %get3A_845 {add = true, strides = array<i32>} : memref<512xf32, #tpu.memory_space<vmem>>, vector<16xf32>,
    }
    %scan3A_760 = arith.constant 32 : i32
    %dma_wait3A_761 = arith.constant 10240 : i32
    %dma_wait3A_762 = tpu.memref_slice %arg7[%dma_wait3A_761] : memref<13312xf32, #tpu.memory_space<vmem>> -> memref<512xf32, #tpu.memory_space<vmem>>
    %dma_wait3A_763 = arith.constant 10240 : i32
    %dma_wait3A_764 = tpu.memref_slice %arg6[%dma_wait3A_763] : memref<13312xi32, #tpu.memory_space<vmem>> -> memref<512xi32, #tpu.memory_space<vmem>>
    %dma_wait3A_765 = arith.constant 0 : i32
    %dma_wait3A_766 = tpu.memref_slice %arg2[%dma_wait3A_765] : memref<1000000xf32, #tpu.memory_space<hbm>> -> memref<1000000xf32, #tpu.memory_space<hbm>>
    tpu.wait_indirect_dma semaphore(%arg11 : memref<!tpu.dma_semaphore, #tpu.memory_space<semaphore_mem>>) src(%dma_wait3A_766 : memref<1000000xf32, #tpu.memory_space<hbm>>) dst(%dma_wait3A_762 : memref<512xf32, #tpu.memory_space<vmem>>)
    %scan3A_767 = arith.constant 0 : i32
    %scan3A_768 = arith.constant 0 : i32
    %scan3A_769 = arith.constant 32 : i32
    %scan3A_770 = arith.addi %scan3A_768, %scan3A_769 : i32
    %scan3A_771 = arith.constant 1 : i32
    scf.for %scan3A_839 = %scan3A_768 to %scan3A_770 step %scan3A_771  : i32 {
      %mul3A_840 = arith.constant 16 : i32
      %mul3A_841 = arith.muli %scan3A_839, %mul3A_840 : i32
      %add3A_842 = arith.constant 10240 : i32
      %add3A_843 = arith.addi %add3A_842, %mul3A_841 : i32
      %get3A_844 = arith.index_cast %add3A_843 : i32 to index
      %get3A_845 = tpu.vector_load %arg7[%get3A_844] {strides = array<i32>} : memref<13312xf32, #tpu.memory_space<vmem>>, vector<16xf32>,
      %mul3A_846 = arith.constant 16 : i32
      %mul3A_847 = arith.muli %scan3A_839, %mul3A_846 : i32
      %swap3A = arith.index_cast %mul3A_847 : i32 to index
      %swap3A_848 = tpu.vector_load %arg8[%swap3A] {strides = array<i32>} : memref<512xf32, #tpu.memory_space<vmem>>, vector<16xf32>,
      tpu.vector_store %arg8[%swap3A], %get3A_845 {add = true, strides = array<i32>} : memref<512xf32, #tpu.memory_space<vmem>>, vector<16xf32>,
    }
    %scan3A_772 = arith.constant 32 : i32
    %dma_wait3A_773 = arith.constant 10752 : i32
    %dma_wait3A_774 = tpu.memref_slice %arg7[%dma_wait3A_773] : memref<13312xf32, #tpu.memory_space<vmem>> -> memref<512xf32, #tpu.memory_space<vmem>>
    %dma_wait3A_775 = arith.constant 10752 : i32
    %dma_wait3A_776 = tpu.memref_slice %arg6[%dma_wait3A_775] : memref<13312xi32, #tpu.memory_space<vmem>> -> memref<512xi32, #tpu.memory_space<vmem>>
    %dma_wait3A_777 = arith.constant 0 : i32
    %dma_wait3A_778 = tpu.memref_slice %arg2[%dma_wait3A_777] : memref<1000000xf32, #tpu.memory_space<hbm>> -> memref<1000000xf32, #tpu.memory_space<hbm>>
    tpu.wait_indirect_dma semaphore(%arg11 : memref<!tpu.dma_semaphore, #tpu.memory_space<semaphore_mem>>) src(%dma_wait3A_778 : memref<1000000xf32, #tpu.memory_space<hbm>>) dst(%dma_wait3A_774 : memref<512xf32, #tpu.memory_space<vmem>>)
    %scan3A_779 = arith.constant 0 : i32
    %scan3A_780 = arith.constant 0 : i32
    %scan3A_781 = arith.constant 32 : i32
    %scan3A_782 = arith.addi %scan3A_780, %scan3A_781 : i32
    %scan3A_783 = arith.constant 1 : i32
    scf.for %scan3A_839 = %scan3A_780 to %scan3A_782 step %scan3A_783  : i32 {
      %mul3A_840 = arith.constant 16 : i32
      %mul3A_841 = arith.muli %scan3A_839, %mul3A_840 : i32
      %add3A_842 = arith.constant 10752 : i32
      %add3A_843 = arith.addi %add3A_842, %mul3A_841 : i32
      %get3A_844 = arith.index_cast %add3A_843 : i32 to index
      %get3A_845 = tpu.vector_load %arg7[%get3A_844] {strides = array<i32>} : memref<13312xf32, #tpu.memory_space<vmem>>, vector<16xf32>,
      %mul3A_846 = arith.constant 16 : i32
      %mul3A_847 = arith.muli %scan3A_839, %mul3A_846 : i32
      %swap3A = arith.index_cast %mul3A_847 : i32 to index
      %swap3A_848 = tpu.vector_load %arg8[%swap3A] {strides = array<i32>} : memref<512xf32, #tpu.memory_space<vmem>>, vector<16xf32>,
      tpu.vector_store %arg8[%swap3A], %get3A_845 {add = true, strides = array<i32>} : memref<512xf32, #tpu.memory_space<vmem>>, vector<16xf32>,
    }
    %scan3A_784 = arith.constant 32 : i32
    %dma_wait3A_785 = arith.constant 11264 : i32
    %dma_wait3A_786 = tpu.memref_slice %arg7[%dma_wait3A_785] : memref<13312xf32, #tpu.memory_space<vmem>> -> memref<512xf32, #tpu.memory_space<vmem>>
    %dma_wait3A_787 = arith.constant 11264 : i32
    %dma_wait3A_788 = tpu.memref_slice %arg6[%dma_wait3A_787] : memref<13312xi32, #tpu.memory_space<vmem>> -> memref<512xi32, #tpu.memory_space<vmem>>
    %dma_wait3A_789 = arith.constant 0 : i32
    %dma_wait3A_790 = tpu.memref_slice %arg2[%dma_wait3A_789] : memref<1000000xf32, #tpu.memory_space<hbm>> -> memref<1000000xf32, #tpu.memory_space<hbm>>
    tpu.wait_indirect_dma semaphore(%arg11 : memref<!tpu.dma_semaphore, #tpu.memory_space<semaphore_mem>>) src(%dma_wait3A_790 : memref<1000000xf32, #tpu.memory_space<hbm>>) dst(%dma_wait3A_786 : memref<512xf32, #tpu.memory_space<vmem>>)
    %scan3A_791 = arith.constant 0 : i32
    %scan3A_792 = arith.constant 0 : i32
    %scan3A_793 = arith.constant 32 : i32
    %scan3A_794 = arith.addi %scan3A_792, %scan3A_793 : i32
    %scan3A_795 = arith.constant 1 : i32
    scf.for %scan3A_839 = %scan3A_792 to %scan3A_794 step %scan3A_795  : i32 {
      %mul3A_840 = arith.constant 16 : i32
      %mul3A_841 = arith.muli %scan3A_839, %mul3A_840 : i32
      %add3A_842 = arith.constant 11264 : i32
      %add3A_843 = arith.addi %add3A_842, %mul3A_841 : i32
      %get3A_844 = arith.index_cast %add3A_843 : i32 to index
      %get3A_845 = tpu.vector_load %arg7[%get3A_844] {strides = array<i32>} : memref<13312xf32, #tpu.memory_space<vmem>>, vector<16xf32>,
      %mul3A_846 = arith.constant 16 : i32
      %mul3A_847 = arith.muli %scan3A_839, %mul3A_846 : i32
      %swap3A = arith.index_cast %mul3A_847 : i32 to index
      %swap3A_848 = tpu.vector_load %arg8[%swap3A] {strides = array<i32>} : memref<512xf32, #tpu.memory_space<vmem>>, vector<16xf32>,
      tpu.vector_store %arg8[%swap3A], %get3A_845 {add = true, strides = array<i32>} : memref<512xf32, #tpu.memory_space<vmem>>, vector<16xf32>,
    }
    %scan3A_796 = arith.constant 32 : i32
    %dma_wait3A_797 = arith.constant 11776 : i32
    %dma_wait3A_798 = tpu.memref_slice %arg7[%dma_wait3A_797] : memref<13312xf32, #tpu.memory_space<vmem>> -> memref<512xf32, #tpu.memory_space<vmem>>
    %dma_wait3A_799 = arith.constant 11776 : i32
    %dma_wait3A_800 = tpu.memref_slice %arg6[%dma_wait3A_799] : memref<13312xi32, #tpu.memory_space<vmem>> -> memref<512xi32, #tpu.memory_space<vmem>>
    %dma_wait3A_801 = arith.constant 0 : i32
    %dma_wait3A_802 = tpu.memref_slice %arg2[%dma_wait3A_801] : memref<1000000xf32, #tpu.memory_space<hbm>> -> memref<1000000xf32, #tpu.memory_space<hbm>>
    tpu.wait_indirect_dma semaphore(%arg11 : memref<!tpu.dma_semaphore, #tpu.memory_space<semaphore_mem>>) src(%dma_wait3A_802 : memref<1000000xf32, #tpu.memory_space<hbm>>) dst(%dma_wait3A_798 : memref<512xf32, #tpu.memory_space<vmem>>)
    %scan3A_803 = arith.constant 0 : i32
    %scan3A_804 = arith.constant 0 : i32
    %scan3A_805 = arith.constant 32 : i32
    %scan3A_806 = arith.addi %scan3A_804, %scan3A_805 : i32
    %scan3A_807 = arith.constant 1 : i32
    scf.for %scan3A_839 = %scan3A_804 to %scan3A_806 step %scan3A_807  : i32 {
      %mul3A_840 = arith.constant 16 : i32
      %mul3A_841 = arith.muli %scan3A_839, %mul3A_840 : i32
      %add3A_842 = arith.constant 11776 : i32
      %add3A_843 = arith.addi %add3A_842, %mul3A_841 : i32
      %get3A_844 = arith.index_cast %add3A_843 : i32 to index
      %get3A_845 = tpu.vector_load %arg7[%get3A_844] {strides = array<i32>} : memref<13312xf32, #tpu.memory_space<vmem>>, vector<16xf32>,
      %mul3A_846 = arith.constant 16 : i32
      %mul3A_847 = arith.muli %scan3A_839, %mul3A_846 : i32
      %swap3A = arith.index_cast %mul3A_847 : i32 to index
      %swap3A_848 = tpu.vector_load %arg8[%swap3A] {strides = array<i32>} : memref<512xf32, #tpu.memory_space<vmem>>, vector<16xf32>,
      tpu.vector_store %arg8[%swap3A], %get3A_845 {add = true, strides = array<i32>} : memref<512xf32, #tpu.memory_space<vmem>>, vector<16xf32>,
    }
    %scan3A_808 = arith.constant 32 : i32
    %dma_wait3A_809 = arith.constant 12288 : i32
    %dma_wait3A_810 = tpu.memref_slice %arg7[%dma_wait3A_809] : memref<13312xf32, #tpu.memory_space<vmem>> -> memref<512xf32, #tpu.memory_space<vmem>>
    %dma_wait3A_811 = arith.constant 12288 : i32
    %dma_wait3A_812 = tpu.memref_slice %arg6[%dma_wait3A_811] : memref<13312xi32, #tpu.memory_space<vmem>> -> memref<512xi32, #tpu.memory_space<vmem>>
    %dma_wait3A_813 = arith.constant 0 : i32
    %dma_wait3A_814 = tpu.memref_slice %arg2[%dma_wait3A_813] : memref<1000000xf32, #tpu.memory_space<hbm>> -> memref<1000000xf32, #tpu.memory_space<hbm>>
    tpu.wait_indirect_dma semaphore(%arg11 : memref<!tpu.dma_semaphore, #tpu.memory_space<semaphore_mem>>) src(%dma_wait3A_814 : memref<1000000xf32, #tpu.memory_space<hbm>>) dst(%dma_wait3A_810 : memref<512xf32, #tpu.memory_space<vmem>>)
    %scan3A_815 = arith.constant 0 : i32
    %scan3A_816 = arith.constant 0 : i32
    %scan3A_817 = arith.constant 32 : i32
    %scan3A_818 = arith.addi %scan3A_816, %scan3A_817 : i32
    %scan3A_819 = arith.constant 1 : i32
    scf.for %scan3A_839 = %scan3A_816 to %scan3A_818 step %scan3A_819  : i32 {
      %mul3A_840 = arith.constant 16 : i32
      %mul3A_841 = arith.muli %scan3A_839, %mul3A_840 : i32
      %add3A_842 = arith.constant 12288 : i32
      %add3A_843 = arith.addi %add3A_842, %mul3A_841 : i32
      %get3A_844 = arith.index_cast %add3A_843 : i32 to index
      %get3A_845 = tpu.vector_load %arg7[%get3A_844] {strides = array<i32>} : memref<13312xf32, #tpu.memory_space<vmem>>, vector<16xf32>,
      %mul3A_846 = arith.constant 16 : i32
      %mul3A_847 = arith.muli %scan3A_839, %mul3A_846 : i32
      %swap3A = arith.index_cast %mul3A_847 : i32 to index
      %swap3A_848 = tpu.vector_load %arg8[%swap3A] {strides = array<i32>} : memref<512xf32, #tpu.memory_space<vmem>>, vector<16xf32>,
      tpu.vector_store %arg8[%swap3A], %get3A_845 {add = true, strides = array<i32>} : memref<512xf32, #tpu.memory_space<vmem>>, vector<16xf32>,
    }
    %scan3A_820 = arith.constant 32 : i32
    %dma_wait3A_821 = arith.constant 12800 : i32
    %dma_wait3A_822 = tpu.memref_slice %arg7[%dma_wait3A_821] : memref<13312xf32, #tpu.memory_space<vmem>> -> memref<512xf32, #tpu.memory_space<vmem>>
    %dma_wait3A_823 = arith.constant 12800 : i32
    %dma_wait3A_824 = tpu.memref_slice %arg6[%dma_wait3A_823] : memref<13312xi32, #tpu.memory_space<vmem>> -> memref<512xi32, #tpu.memory_space<vmem>>
    %dma_wait3A_825 = arith.constant 0 : i32
    %dma_wait3A_826 = tpu.memref_slice %arg2[%dma_wait3A_825] : memref<1000000xf32, #tpu.memory_space<hbm>> -> memref<1000000xf32, #tpu.memory_space<hbm>>
    tpu.wait_indirect_dma semaphore(%arg11 : memref<!tpu.dma_semaphore, #tpu.memory_space<semaphore_mem>>) src(%dma_wait3A_826 : memref<1000000xf32, #tpu.memory_space<hbm>>) dst(%dma_wait3A_822 : memref<512xf32, #tpu.memory_space<vmem>>)
    %scan3A_827 = arith.constant 0 : i32
    %scan3A_828 = arith.constant 0 : i32
    %scan3A_829 = arith.constant 32 : i32
    %scan3A_830 = arith.addi %scan3A_828, %scan3A_829 : i32
    %scan3A_831 = arith.constant 1 : i32
    scf.for %scan3A_839 = %scan3A_828 to %scan3A_830 step %scan3A_831  : i32 {
      %mul3A_840 = arith.constant 16 : i32
      %mul3A_841 = arith.muli %scan3A_839, %mul3A_840 : i32
      %add3A_842 = arith.constant 12800 : i32
      %add3A_843 = arith.addi %add3A_842, %mul3A_841 : i32
      %get3A_844 = arith.index_cast %add3A_843 : i32 to index
      %get3A_845 = tpu.vector_load %arg7[%get3A_844] {strides = array<i32>} : memref<13312xf32, #tpu.memory_space<vmem>>, vector<16xf32>,
      %mul3A_846 = arith.constant 16 : i32
      %mul3A_847 = arith.muli %scan3A_839, %mul3A_846 : i32
      %swap3A = arith.index_cast %mul3A_847 : i32 to index
      %swap3A_848 = tpu.vector_load %arg8[%swap3A] {strides = array<i32>} : memref<512xf32, #tpu.memory_space<vmem>>, vector<16xf32>,
      tpu.vector_store %arg8[%swap3A], %get3A_845 {add = true, strides = array<i32>} : memref<512xf32, #tpu.memory_space<vmem>>, vector<16xf32>,
    }
    %scan3A_832 = arith.constant 32 : i32
    %scan3A_833 = arith.constant 0 : i32
    %scan3A_834 = arith.constant 0 : i32
    %scan3A_835 = arith.constant 32 : i32
    %scan3A_836 = arith.addi %scan3A_834, %scan3A_835 : i32
    %scan3A_837 = arith.constant 1 : i32
    scf.for %scan3A_839 = %scan3A_834 to %scan3A_836 step %scan3A_837  : i32 {
      %mul3A_840 = arith.constant 16 : i32
      %mul3A_841 = arith.muli %scan3A_839, %mul3A_840 : i32
      %get3A_842 = arith.index_cast %mul3A_841 : i32 to index
      %get3A_843 = tpu.vector_load %arg8[%get3A_842] {strides = array<i32>} : memref<512xf32, #tpu.memory_space<vmem>>, vector<16xf32>,
      %jit3A = arith.constant -3.000000e+01 : f32
      %jit3A_844 = arith.constant 3.000000e+01 : f32
      %max3A = vector.broadcast %jit3A : f32 to vector<16xf32>
      %max3A_845 = arith.maximumf %max3A, %get3A_843 : vector<16xf32>
      %min3A = vector.broadcast %jit3A_844 : f32 to vector<16xf32>
      %min3A_846 = arith.minimumf %min3A, %max3A_845 : vector<16xf32>
      %neg3A = arith.constant 0.000000e+00 : f32
      %neg3A_847 = vector.broadcast %neg3A : f32 to vector<16xf32>
      %neg3A_848 = arith.subf %neg3A_847, %min3A_846 : vector<16xf32>
      %exp3A = math.exp %neg3A_848 : vector<16xf32>
      %add3A_849 = arith.constant 1.000000e+00 : f32
      %add3A_850 = vector.broadcast %add3A_849 : f32 to vector<16xf32>
      %add3A_851 = arith.addf %add3A_850, %exp3A : vector<16xf32>
      %div3A = arith.constant 1.000000e+00 : f32
      %div3A_852 = vector.broadcast %div3A : f32 to vector<16xf32>
      %div3A_853 = arith.divf %div3A_852, %add3A_851 : vector<16xf32>
      %mul3A_854 = arith.constant 16 : i32
      %mul3A_855 = arith.muli %scan3A_839, %mul3A_854 : i32
      %swap3A = arith.index_cast %mul3A_855 : i32 to index
      %swap3A_856 = tpu.vector_load %arg8[%swap3A] {strides = array<i32>} : memref<512xf32, #tpu.memory_space<vmem>>, vector<16xf32>,
      tpu.vector_store %arg8[%swap3A], %div3A_853 {strides = array<i32>} : memref<512xf32, #tpu.memory_space<vmem>>, vector<16xf32>,
    }
    %scan3A_838 = arith.constant 32 : i32
    "tpu.region"() ({
      %run_scoped3A = tpu.sem_alloc : memref<!tpu.dma_semaphore, #tpu.memory_space<semaphore_mem>>
      %dma_start3A_839 = tpu.memref_slice %arg5[%mul3A_2] : memref<16384xf32, #tpu.memory_space<hbm>> -> memref<512xf32, #tpu.memory_space<hbm>>
      %dma_start3A_840 = tpu.memref_slice %arg5[%mul3A_2] : memref<16384xf32, #tpu.memory_space<hbm>> -> memref<512xf32, #tpu.memory_space<hbm>>
      tpu.enqueue_dma source(%arg8 : memref<512xf32, #tpu.memory_space<vmem>>) target(%dma_start3A_840 : memref<512xf32, #tpu.memory_space<hbm>>) target_semaphore(%run_scoped3A : memref<!tpu.dma_semaphore, #tpu.memory_space<semaphore_mem>>)
      %dma_wait3A_841 = tpu.memref_slice %arg5[%mul3A_2] : memref<16384xf32, #tpu.memory_space<hbm>> -> memref<512xf32, #tpu.memory_space<hbm>>
      %dma_wait3A_842 = tpu.memref_slice %arg5[%mul3A_2] : memref<16384xf32, #tpu.memory_space<hbm>> -> memref<512xf32, #tpu.memory_space<hbm>>
      tpu.wait_dma2 semaphore(%run_scoped3A : memref<!tpu.dma_semaphore, #tpu.memory_space<semaphore_mem>>) src(%arg8 : memref<512xf32, #tpu.memory_space<vmem>>) dst(%dma_wait3A_842 : memref<512xf32, #tpu.memory_space<hbm>>)
      tpu.yield
    }) : () -> ()
    return
  }
}

</mosaic_0001>

<sc_bundles>
// kernel: _lr_sc.3.cloned.1.call-start
scs
__scs_entry_jumppad:
0x0: {  	(pc) =	sbr.rel $0x88, $3  }
0x1: {  	(tag) =	ssettag $0x0;
	lr =	simm.s32 $0x1  }
0x2: {  	[smem:$0x3F9E] =	sst lr;
	_ =	strace $0xD0000000  }
0x3: {  	_ = 	snop  }
0x4: {  	_ = 	snop  }
0x5: {  	_ = 	snop  }
0x6: {  	_ = 	snop  }
0x7: {  	_ = 	snop  }
__scs_overlays_trampoline_lowered:
0x8: {  	[smem:$0x3FAD] =	sst s0  }
0x9: {  	[smem:$0x3FAE] =	sst s1  }
0xa: {  	[smem:$0x3FAF] =	sst s2  }
0xb: {  	[smem:$0x3FB0] =	sst s3  }
0xc: {  	[smem:$0x3FB1] =	sst s4  }
0xd: {  	[smem:$0x3FB2] =	sst s5  }
0xe: {  	[smem:$0x3FB3] =	sst s6  }
0xf: {  	[smem:$0x3FB4] =	sst s7  }
0x10: {  	[smem:$0x3FB5] =	sst s8  }
0x11: {  	[smem:$0x3FB6] =	sst s9;
	s0 =	simm.s32 @!p0 $0x0  }
0x12: {  	s1 =	sld [smem:$0x3F9C];
	s0 =	simm.s32 @p0 $0x1  }
0x13: {  	[smem:$0x3FB7] =	sst s0;
	s0 =	simm.s32 @!p1 $0x0  }
0x14: {  	s2 =	sld [smem:$0x3F9B];
	s0 =	simm.s32 @p1 $0x1  }
0x15: {  	[smem:$0x3FB8] =	sst s0;
	s0 =	simm.s32 @!p2 $0x0  }
0x16: {  	s3 =	sld [smem:$0x3FDB];
	s0 =	simm.s32 @p2 $0x1  }
0x17: {  	s4 =	simm.s32 $0x1BF5;
	[smem:$0x3FBA] =	sst s0  }
0x18: {  	s0 =	sld [smem:$0x3F9D];
	_ =	swait.ge [sflag:s4], $0x0  }
0x19: {  	s7 =	sld [smem:$0x3F9E]  }
0x1a: {  	s8 =	sadd.s32 $0xFFFFE003, lr  }
0x1b: {  	s9 =	sadd.s32 $0xFFFFFEF7, lr;
	s5 =	simm.s32 $0xFFFFFFFF;
	p2 =	slt.u32 s8, $0xFFFFF086  }
0x1c: {  	p1 =	slt.u32 s9, $0xF7A;
	s5 =	simm.s32 @!p2 $0x0  }
0x1d: {  	s5 =	simm.s32 @p1 $0x1;
	p0 =	seq.s32 s7, s2  }
0x1e: {  	s7 =	smul.u32 @!p0 $0xF7A, s2;
	p2 =	seq.s32 @!p0 s5, $0x0  }
0x1f: {  	s9 =	smul.u32 $0xF7A, s1;
	s8 =	simm.s32 @!p0 $0x1BF5;
	p2 =	por !p2, p0  }
0x20: {  	[sflag:s8] =	ssyncset.s32 @!p0 $0xFFFFF086;
	s6 =	sadd.s32 @!p0 s3, s7;
	s7 =	simm.s32 @!p0 $0x108  }
0x21: {  	s3 =	sadd.s32 s3, s9;
	s6 =	sadd.s32 @!p0 $0x88, s6;
	s7 =	simm.s32 @p2 $0x1082  }
0x22: {  	[simem:s7], [sflag:s8] =	dma.local @!p0 [hbm:s6], $0xF7A  }
0x23: {  	s9 =	sor.u32 $0xD0000000, s2;
	s6 =	simm.s32 $0x108;
	_ =	swait.ge @!p0 [sflag:s8], $0x0  }
0x24: {  	s3 =	sadd.s32 $0x88, s3;
	s6 =	simm.s32 @!p1 $0x1082;
	[sflag:s4] =	ssyncset.s32 $0xFFFFF086  }
0x25: {  	[simem:s6], [sflag:s4] =	dma.local [hbm:s3], $0xF7A  }
0x26: {  	[smem:$0x3F9E] =	sst s1;
	(tag) =	ssettag s2;
	_ =	strace s9  }
0x27: {  	s1 =	sld [smem:$0x3FAE]  }
0x28: {  	s2 =	sld [smem:$0x3FAF]  }
0x29: {  	s4 =	sld [smem:$0x3FB1]  }
0x2a: {  	p0 =	seq.s32 s5, $0x0;
	s5 =	sld [smem:$0x3FB2]  }
0x2b: {  	s6 =	sld [smem:$0x3FB3]  }
0x2c: {  	s7 =	sld [smem:$0x3FB4]  }
0x2d: {  	s3 =	simm.s32 $0x108;
	s8 =	sld [smem:$0x3FB5]  }
0x2e: {  	s3 =	simm.s32 @!p0 $0x1082;
	s9 =	sld [smem:$0x3FB6]  }
0x2f: {  	lr =	sadd.s32 s0, s3;
	s0 =	sld [smem:$0x3FAD]  }
0x30: {  	s3 =	sld [smem:$0x3FB0]  }
0x31: {  	[smem:$0x3FB9] =	sst s10  }
0x32: {  	s10 =	sld [smem:$0x3FB7];
	_ =	sdelay $0x3  }
0x33: {  	p0 =	seq.s32 s10, $0x1;
	s10 =	sld [smem:$0x3FB9];
	_ =	sdelay $0x3  }
0x34: {  	[smem:$0x3FB9] =	sst s10  }
0x35: {  	s10 =	sld [smem:$0x3FB8];
	_ =	sdelay $0x3  }
0x36: {  	p1 =	seq.s32 s10, $0x1;
	s10 =	sld [smem:$0x3FB9];
	_ =	sdelay $0x3  }
0x37: {  	[smem:$0x3FB9] =	sst s10  }
0x38: {  	s10 =	sld [smem:$0x3FBA]  }
0x39: {  	_ = 	snop;
	(pc) =	sbr.ind lr, $3  }
0x3a: {  	_ = 	snop  }
0x3b: {  	_ = 	snop  }
0x3c: {  	p2 =	seq.s32 s10, $0x1;
	s10 =	sld [smem:$0x3FB9]  }
0x3d: {  	_ =	shalt  }
0x3e: {  	_ =	shalt  }
0x3f: {  	_ =	shalt  }
0x40: {  	_ =	shalt  }
0x41: {  	_ =	shalt  }
0x42: {  	_ =	shalt  }
0x43: {  	_ =	shalt  }
0x44: {  	_ =	shalt  }
0x45: {  	_ =	shalt  }
0x46: {  	_ =	shalt  }
0x47: {  	_ =	shalt  }
0x48: {  	_ =	shalt  }
0x49: {  	_ =	shalt  }
0x4a: {  	_ =	shalt  }
0x4b: {  	_ =	shalt  }
0x4c: {  	_ =	shalt  }
0x4d: {  	_ =	shalt  }
0x4e: {  	_ =	shalt  }
0x4f: {  	_ =	shalt  }
0x50: {  	_ =	shalt  }
0x51: {  	_ =	shalt  }
0x52: {  	_ =	shalt  }
0x53: {  	_ =	shalt  }
0x54: {  	_ =	shalt  }
0x55: {  	_ =	shalt  }
0x56: {  	_ =	shalt  }
0x57: {  	_ =	shalt  }
0x58: {  	_ =	shalt  }
0x59: {  	_ =	shalt  }
0x5a: {  	_ =	shalt  }
0x5b: {  	_ =	shalt  }
0x5c: {  	_ =	shalt  }
0x5d: {  	_ =	shalt  }
0x5e: {  	_ =	shalt  }
0x5f: {  	_ =	shalt  }
0x60: {  	_ =	shalt  }
0x61: {  	_ =	shalt  }
0x62: {  	_ =	shalt  }
0x63: {  	_ =	shalt  }
0x64: {  	_ =	shalt  }
0x65: {  	_ =	shalt  }
0x66: {  	_ =	shalt  }
0x67: {  	_ =	shalt  }
0x68: {  	_ =	shalt  }
0x69: {  	_ =	shalt  }
0x6a: {  	_ =	shalt  }
0x6b: {  	_ =	shalt  }
0x6c: {  	_ =	shalt  }
0x6d: {  	_ =	shalt  }
0x6e: {  	_ =	shalt  }
0x6f: {  	_ =	shalt  }
0x70: {  	_ =	shalt  }
0x71: {  	_ =	shalt  }
0x72: {  	_ =	shalt  }
0x73: {  	_ =	shalt  }
0x74: {  	_ =	shalt  }
0x75: {  	_ =	shalt  }
0x76: {  	_ =	shalt  }
0x77: {  	_ =	shalt  }
0x78: {  	_ =	shalt  }
0x79: {  	_ =	shalt  }
0x7a: {  	_ =	shalt  }
0x7b: {  	_ =	shalt  }
0x7c: {  	_ =	shalt  }
0x7d: {  	_ =	shalt  }
0x7e: {  	_ =	shalt  }
0x7f: {  	_ =	shalt  }
0x80: {  	_ =	shalt  }
0x81: {  	_ =	shalt  }
0x82: {  	_ =	shalt  }
0x83: {  	_ =	shalt  }
0x84: {  	_ =	shalt  }
0x85: {  	_ =	shalt  }
0x86: {  	_ =	shalt  }
0x87: {  	_ =	shalt  }
.Lfunc_end0:
.L_simem_size_0:
called_computation_lowered:
.L_overlay_start_0:
0x88: {  	s2 =	sld [smem:$0x3FD9]  }
0x89: {  	s3 =	sld [smem:$0x3FFE];
	_ =	sdelay $0x1  }
0x8a: {  	s1 =	srdreg.scid  }
0x8b: {  	s0 =	sand.u32 $0x1, s1  }
0x8c: {  	s18 =	sshll.u32 s0, $0xA;
	s2 =	sadd.s32 s3, s2  }
0x8d: {  	s2 =	sadd.s32 s2, s18  }
0x8e: {  	[smem:$0x3FC5] =	sst s2  }
0x8f: {  	_ = 	snop  }
0x90: {  	s2 =	sld [smem:$0x3FC9]  }
0x91: {  	s19 =	sld [smem:$0x3FC8]  }
0x92: {  	s4 =	sld [smem:$0x3FC7]  }
0x93: {  	s5 =	sld [smem:$0x3FD0];
	(tm) =	ssettm $0x1  }
0x94: {  	s6 =	sld [smem:$0x3FFB];
	_ =	sdelay $0x3  }
0x95: {  	_ =	strace s6  }
0x96: {  	s6 =	sld [smem:$0x3FFC];
	_ =	sdelay $0x3  }
0x97: {  	_ =	strace s6  }
0x98: {  	s6 =	sld [smem:$0x3FFD];
	_ =	sdelay $0x3  }
0x99: {  	_ =	strace s6  }
0x9a: {  	_ =	strace $0x8FFFFFFF  }
0x9b: {  	s20 =	sld [smem:$0x3FDB];
	_ =	sdelay $0x1  }
0x9c: {  	s7 =	simm.s32 $_scs_section_size  }
0x9d: {  	s8 =	simm.s32 $_size__tile_overlayer_lowered;
	s9 =	simm.s32 $_tile_overlayer_lowered  }
0x9e: {  	s23 =	simm.s32 $0x1BFF;
	s22 =	sshll.u32 s9, $0x1;
	s6 =	sadd.s32 s7, s20  }
0x9f: {  	s10 =	simm.s32 $0x0;
	s21 =	sshll.u32 s8, $0x1;
	s8 =	sadd.s32 s22, s6  }
0xa0: {  	[timem:s10], [sflag:s23] =	dma.local [hbm:s8], s21  }
0xa1: {  	_ =	swait.ge [sflag:s23], s21  }
0xa2: {  	s7 =	ssub.s32 $0x0, s21;
	[sflag:s23] =	ssyncset.done $0x0  }
0xa3: {  	[sflag:s23] =	ssyncadd.s32 s7;
	_ =	sdelay $0x1  }
0xa4: {  	s24 =	simm.s32 $0x1B8B  }
0xa5: {  	_ =	swait.ge [sflag:s24], $0x1  }
0xa6: {  	[sflag:s24] =	ssyncset.done $0x0  }
0xa7: {  	s25 =	simm.s32 $0x1B8E;
	[sflag:s24] =	ssyncadd.s32 $0xFFFFFFFF  }
0xa8: {  	s26 =	simm.s32 $execute0_lowered;
	[smem:$0x3FD2] =	sst s25  }
0xa9: {  	s7 =	sshll.u32 s26, $0x1;
	_ =	strace $0x80000046;
	[dreg:$0x1] =	wrdreg $0xFFFFFFFF  }
0xaa: {  	s28 =	simm.s32 $_size_execute0_lowered;
	s6 =	sadd.s32 s6, s7;
	[dreg:$0x0] =	wrdreg $0x0  }
0xab: {  	s7 =	sshll.u32 s28, $0x1;
	[dreg:$0x2] =	wrdreg s6  }
0xac: {  	[dreg:$0x3] =	wrdreg s7  }
0xad: {  	[dreg:$0x4] =	wrdreg $0xC0  }
0xae: {  	_ =	task [dreg:s10], $0x5FFFF  }
0xaf: {  	[dreg:$0x1] =	wrdreg $0xFFFFFFFF  }
0xb0: {  	[dreg:$0x0] =	wrdreg $0x60  }
0xb1: {  	[dreg:$0x2] =	wrdreg s2  }
0xb2: {  	[dreg:$0x3] =	wrdreg s19  }
0xb3: {  	[dreg:$0x4] =	wrdreg s4  }
0xb4: {  	[dreg:$0x5] =	wrdreg s5  }
0xb5: {  	[dreg:$0x6] =	wrdreg $0x9  }
0xb6: {  	_ =	task.clear_ibuf [dreg:s10], $0x7FFFF;
	_ =	strace $0x90000046  }
0xb7: {  	s29 =	simm.s32 $0x9;
	_ =	strace $0x80000048  }
0xb8: {  	_ =	swait.ge [sflag:s29], $0x1  }
0xb9: {  	[sflag:s29] =	ssyncadd.s32 $0xFFFFFFFF  }
0xba: {  	_ =	strace $0x90000048  }
0xbb: {  	_ =	sfence  }
0xbc: {  	s30 =	sld [smem:$0x0];
	_ =	sdelay $0x2  }
0xbd: {  	s31 =	sshll.u32 s1, $0xD;
	s1 =	sshrl.u32 s1, $0x2  }
0xbe: {  	s3 =	sand.u32 $0x4000, s31;
	s1 =	sadd.s32 s1, s30  }
0xbf: {  	s0 =	sor.u32 s3, s0;
	s1 =	sshll.u32 s1, $0x11  }
0xc0: {  	s0 =	sor.u32 s1, s0  }
0xc1: {  	s0 =	sadd.s32 $0x8F2B, s0  }
0xc2: {  	[sflag:s0] =	ssyncadd.remote.s32 $0x1  }
0xc3: {  	_ =	sfence.sel $0xFFFF  }
0xc4: {  	[dreg:$0x0] =	wrdreg $0xFFFFFFFF;
	(pc) =	sbr.abs _section_cstart, $3  }
0xc5: {  	[dreg:$0x1] =	wrdreg $0xFFFFFFFF  }
0xc6: {  	_ =	task.clear_ibuf [dreg:s10], $0x2FFFF;
	_ =	strace $0x9FFFFFFF  }
0xc7: {  	(tm) =	ssettm $0x7FFFFFFF  }
tec
execute0_lowered:
.L_overlay_start_1:
0x0: {  	(tag) =	ssettag $0x1  }
0x1: {  	s1 =	rddreg [dreg:$0x0]  }
0x2: {  	s0 =	rddreg [dreg:$0x1]  }
0x3: {  	s2 =	rddreg [dreg:$0x3];
	s3 =	srdreg.scid  }
0x4: {  	s4 =	simm.s32 $0x0;
	s6 =	stileid.u32;
	s3 =	sand.u32 $0x1, s3  }
0x5: {  	s6 =	sshll.u32 s6, $0x7;
	s5 =	ssub.s32 $0x2, s3;
	s3 =	sshll.u32 s3, $0x6  }
0x6: {  	[smem:$0x7FF] =	sst s4;
	s3 =	sor.u32 s3, s6  }
0x7: {  	_ =	strace $0x80000047;
	s7 =	sshrl.u32 s5, $0x1;
	s19 =	sadd.s32 s2, s3  }
0x8: {  	s24 =	ssub.s32 s5, s7;
	s5 =	sadd.s32 s0, s3;
	[dreg:$0x16] =	wrdreg s19  }
0x9: {  	s0 =	sadd.s32 $0x800, s5;
	[smem:$0x7FD] =	sst s5  }
0xa: {  	s25 =	sadd.s32 $0x1000, s5;
	[dreg:$0x5] =	wrdreg s0  }
0xb: {  	s26 =	sadd.s32 $0x1800, s5;
	[dreg:$0x6] =	wrdreg s25  }
0xc: {  	s30 =	sadd.s32 $0x2000, s5;
	[dreg:$0x7] =	wrdreg s26  }
0xd: {  	s31 =	sadd.s32 $0x2800, s5;
	[dreg:$0x8] =	wrdreg s30  }
0xe: {  	s7 =	sadd.s32 $0x3000, s5;
	[dreg:$0x9] =	wrdreg s31  }
0xf: {  	s8 =	sadd.s32 $0x3800, s5;
	[dreg:$0xa] =	wrdreg s7  }
0x10: {  	s9 =	sadd.s32 $0x4000, s5;
	[dreg:$0xb] =	wrdreg s8  }
0x11: {  	s10 =	sadd.s32 $0x4800, s5;
	[dreg:$0xc] =	wrdreg s9  }
0x12: {  	s11 =	sadd.s32 $0x5000, s5;
	[dreg:$0xd] =	wrdreg s10  }
0x13: {  	s12 =	sadd.s32 $0x5800, s5;
	[dreg:$0xe] =	wrdreg s11  }
0x14: {  	s13 =	sadd.s32 $0x6000, s5;
	[dreg:$0xf] =	wrdreg s12  }
0x15: {  	s14 =	sadd.s32 $0x6800, s5;
	[dreg:$0x10] =	wrdreg s13  }
0x16: {  	s15 =	sadd.s32 $0x7000, s5;
	[dreg:$0x11] =	wrdreg s14  }
0x17: {  	s16 =	sadd.s32 $0x7800, s5;
	[dreg:$0x12] =	wrdreg s15  }
0x18: {  	s17 =	sadd.s32 $0x8000, s5;
	[dreg:$0x13] =	wrdreg s16  }
0x19: {  	s18 =	sadd.s32 $0x8800, s5;
	[dreg:$0x14] =	wrdreg s17  }
0x1a: {  	s20 =	sadd.s32 $0x9000, s5;
	[dreg:$0x15] =	wrdreg s18  }
0x1b: {  	s29 =	simm.s32 $0x2;
	s21 =	smax.u32 s24, $0x1;
	[dreg:$0x17] =	wrdreg s20  }
0x1c: {  	s28 =	simm.s32 $0x2E00;
	s22 =	sadd.s32 $0x9800, s5;
	[dreg:$0x18] =	wrdreg s21  }
0x1d: {  	s6 =	simm.s32 $0x200;
	s23 =	sadd.s32 $0xA000, s5;
	[dreg:$0x19] =	wrdreg s22  }
0x1e: {  	s3 =	simm.s32 $0xE00;
	s24 =	sadd.s32 $0xA800, s5;
	[dreg:$0x1a] =	wrdreg s23  }
0x1f: {  	s19 =	simm.s32 $0x1800;
	[dreg:$0x1b] =	wrdreg s24;
	s25 =	sadd.s32 $0xB000, s5  }
0x20: {  	s26 =	sadd.s32 $0xB800, s5;
	s30 =	sadd.s32 $0xC000, s5;
	s31 =	sadd.s32 $0xC800, s5  }
0x21: {  	s0 =	simm.s32 $0x3;
	s10 =	simm.s32 $0x1;
	s11 =	simm.s32 $0x0  }
0x22: {  	s13 =	simm.s32 $0x800;
	s14 =	simm.s32 $0xC00;
	s15 =	simm.s32 $0x1000  }
0x23: {  	s16 =	simm.s32 $0x1200;
	s17 =	simm.s32 $0x1400;
	s18 =	simm.s32 $0x1600  }
0x24: {  	s20 =	simm.s32 $0x1A00;
	s21 =	simm.s32 $0x1C00;
	s22 =	simm.s32 $0x1E00  }
0x25: {  	s23 =	simm.s32 $0x2000;
	s24 =	simm.s32 $0x2200;
	[dreg:$0x1c] =	wrdreg s25  }
0x26: {  	s7 =	simm.s32 $0x2400;
	s8 =	simm.s32 $0x2800;
	[dreg:$0x1d] =	wrdreg s26  }
0x27: {  	s9 =	simm.s32 $0x2C00;
	s5 =	simm.s32 $0x3000;
	[dreg:$0x1e] =	wrdreg s30  }
0x28: {  	[dreg:$0x1f] =	wrdreg s31;
	s25 =	simm.s32 $0x2600;
	s26 =	simm.s32 $0x2A00  }
.LBB2_1:
0x29: {  	s12 =	rddreg [dreg:$0x2];
	s30 =	simm.s32 $0x6A00  }
0x2a: {  	[tilespmem:s30], [sflag:$0x3] =	stream.linear.gather [hbm4b:s12+s4], $0x1, $0x38;
	[tilespmem:$0x6A10] =	vst v63  }
0x2b: {  	_ =	swait.ge [sflag:s0], $0x1  }
0x2c: {  	s12 =	sld [smem:$0x7FD]  }
0x2d: {  	[sflag:s0] =	ssyncset.done $0x0  }
0x2e: {  	[sflag:s0] =	ssyncadd.s32 $0xFFFFFFFF  }
0x2f: {  	[tilespmem:s4], [sflag:$0x1] =	stream.linear.gather [hbm4b:s12+s4], $0x200, $0x38;
	[tilespmem:$0x6A10] =	vst v63  }
0x30: {  	s31 =	rddreg [dreg:$0x5]  }
0x31: {  	[tilespmem:s6], [sflag:$0x1] =	stream.linear.gather [hbm4b:s31+s4], $0x200, $0x38;
	[tilespmem:$0x6A10] =	vst v63  }
0x32: {  	s30 =	simm.s32 $0x400;
	s0 =	rddreg [dreg:$0x6]  }
0x33: {  	[tilespmem:s30], [sflag:$0x1] =	stream.linear.gather [hbm4b:s0+s4], $0x200, $0x38;
	[tilespmem:$0x6A10] =	vst v63  }
0x34: {  	s2 =	rddreg [dreg:$0x7];
	s31 =	simm.s32 $0x600  }
0x35: {  	[tilespmem:s31], [sflag:$0x1] =	stream.linear.gather [hbm4b:s2+s4], $0x200, $0x38;
	[tilespmem:$0x6A10] =	vst v63  }
0x36: {  	s0 =	rddreg [dreg:$0x8]  }
0x37: {  	[tilespmem:s13], [sflag:$0x1] =	stream.linear.gather [hbm4b:s0+s4], $0x200, $0x38;
	[tilespmem:$0x6A10] =	vst v63  }
0x38: {  	s2 =	rddreg [dreg:$0x9];
	s0 =	simm.s32 $0xA00  }
0x39: {  	[tilespmem:s0], [sflag:$0x1] =	stream.linear.gather [hbm4b:s2+s4], $0x200, $0x38;
	[tilespmem:$0x6A10] =	vst v63  }
0x3a: {  	s2 =	rddreg [dreg:$0xa]  }
0x3b: {  	[tilespmem:s14], [sflag:$0x1] =	stream.linear.gather [hbm4b:s2+s4], $0x200, $0x38;
	[tilespmem:$0x6A10] =	vst v63  }
0x3c: {  	s2 =	rddreg [dreg:$0xb]  }
0x3d: {  	[tilespmem:s3], [sflag:$0x1] =	stream.linear.gather [hbm4b:s2+s4], $0x200, $0x38;
	[tilespmem:$0x6A10] =	vst v63  }
0x3e: {  	s2 =	rddreg [dreg:$0xc]  }
0x3f: {  	[tilespmem:s15], [sflag:$0x1] =	stream.linear.gather [hbm4b:s2+s4], $0x200, $0x38;
	[tilespmem:$0x6A10] =	vst v63  }
0x40: {  	s2 =	rddreg [dreg:$0xd]  }
0x41: {  	[tilespmem:s16], [sflag:$0x1] =	stream.linear.gather [hbm4b:s2+s4], $0x200, $0x38;
	[tilespmem:$0x6A10] =	vst v63  }
0x42: {  	s2 =	rddreg [dreg:$0xe]  }
0x43: {  	[tilespmem:s17], [sflag:$0x1] =	stream.linear.gather [hbm4b:s2+s4], $0x200, $0x38;
	[tilespmem:$0x6A10] =	vst v63  }
0x44: {  	s2 =	rddreg [dreg:$0xf]  }
0x45: {  	[tilespmem:s18], [sflag:$0x1] =	stream.linear.gather [hbm4b:s2+s4], $0x200, $0x38;
	[tilespmem:$0x6A10] =	vst v63  }
0x46: {  	s2 =	rddreg [dreg:$0x10]  }
0x47: {  	[tilespmem:s19], [sflag:$0x1] =	stream.linear.gather [hbm4b:s2+s4], $0x200, $0x38;
	[tilespmem:$0x6A10] =	vst v63  }
0x48: {  	s2 =	rddreg [dreg:$0x11]  }
0x49: {  	[tilespmem:s20], [sflag:$0x1] =	stream.linear.gather [hbm4b:s2+s4], $0x200, $0x38;
	[tilespmem:$0x6A10] =	vst v63  }
0x4a: {  	s2 =	rddreg [dreg:$0x12]  }
0x4b: {  	[tilespmem:s21], [sflag:$0x1] =	stream.linear.gather [hbm4b:s2+s4], $0x200, $0x38;
	[tilespmem:$0x6A10] =	vst v63  }
0x4c: {  	s2 =	rddreg [dreg:$0x13]  }
0x4d: {  	[tilespmem:s22], [sflag:$0x1] =	stream.linear.gather [hbm4b:s2+s4], $0x200, $0x38;
	[tilespmem:$0x6A10] =	vst v63  }
0x4e: {  	s2 =	rddreg [dreg:$0x14]  }
0x4f: {  	[tilespmem:s23], [sflag:$0x1] =	stream.linear.gather [hbm4b:s2+s4], $0x200, $0x38;
	[tilespmem:$0x6A10] =	vst v63  }
0x50: {  	s2 =	rddreg [dreg:$0x15]  }
0x51: {  	[tilespmem:s24], [sflag:$0x1] =	stream.linear.gather [hbm4b:s2+s4], $0x200, $0x38;
	[tilespmem:$0x6A10] =	vst v63  }
0x52: {  	s2 =	rddreg [dreg:$0x17]  }
0x53: {  	[tilespmem:s7], [sflag:$0x1] =	stream.linear.gather [hbm4b:s2+s4], $0x200, $0x38;
	[tilespmem:$0x6A10] =	vst v63  }
0x54: {  	s2 =	rddreg [dreg:$0x19]  }
0x55: {  	[tilespmem:s25], [sflag:$0x1] =	stream.linear.gather [hbm4b:s2+s4], $0x200, $0x38;
	[tilespmem:$0x6A10] =	vst v63  }
0x56: {  	s2 =	rddreg [dreg:$0x1a]  }
0x57: {  	[tilespmem:s8], [sflag:$0x1] =	stream.linear.gather [hbm4b:s2+s4], $0x200, $0x38;
	[tilespmem:$0x6A10] =	vst v63  }
0x58: {  	s2 =	rddreg [dreg:$0x1b]  }
0x59: {  	[tilespmem:s26], [sflag:$0x1] =	stream.linear.gather [hbm4b:s2+s4], $0x200, $0x38;
	[tilespmem:$0x6A10] =	vst v63  }
0x5a: {  	s2 =	rddreg [dreg:$0x1c]  }
0x5b: {  	[tilespmem:s9], [sflag:$0x1] =	stream.linear.gather [hbm4b:s2+s4], $0x200, $0x38;
	[tilespmem:$0x6A10] =	vst v63  }
0x5c: {  	s2 =	rddreg [dreg:$0x1d]  }
0x5d: {  	[tilespmem:s28], [sflag:$0x1] =	stream.linear.gather [hbm4b:s2+s4], $0x200, $0x38;
	[tilespmem:$0x6A10] =	vst v63  }
0x5e: {  	s2 =	rddreg [dreg:$0x1e]  }
0x5f: {  	[tilespmem:s5], [sflag:$0x1] =	stream.linear.gather [hbm4b:s2+s4], $0x200, $0x38;
	[tilespmem:$0x6A10] =	vst v63  }
0x60: {  	s12 =	rddreg [dreg:$0x1f];
	s2 =	simm.s32 $0x3200  }
0x61: {  	[tilespmem:s2], [sflag:$0x1] =	stream.linear.gather [hbm4b:s12+s4], $0x200, $0x38;
	[tilespmem:$0x6A10] =	vst v63  }
0x62: {  	_ =	swait.ge [sflag:s10], $0x200  }
0x63: {  	[sflag:s10] =	ssyncset.done $0x0  }
0x64: {  	s12 =	simm.s32 $0x3400;
	[sflag:s10] =	ssyncadd.s32 $0xFFFFFE00  }
0x65: {  	[tilespmem:s12], [sflag:$0x2] =	stream.indirect.gather [hbm4b:s1+s6], $0x1, s4, s6, $0xb8;
	[tilespmem:$0x6A10] =	vst v63  }
0x66: {  	_ =	swait.ge [sflag:s10], $0x200  }
0x67: {  	[sflag:s10] =	ssyncset.done $0x0  }
0x68: {  	s12 =	simm.s32 $0x3600;
	[sflag:s10] =	ssyncadd.s32 $0xFFFFFE00  }
0x69: {  	[tilespmem:s12], [sflag:$0x2] =	stream.indirect.gather [hbm4b:s1+s6], $0x1, s6, s6, $0xb8;
	[tilespmem:$0x6A10] =	vst v63  }
0x6a: {  	_ =	swait.ge [sflag:s10], $0x200  }
0x6b: {  	[sflag:s10] =	ssyncset.done $0x0  }
0x6c: {  	s12 =	simm.s32 $0x3800;
	[sflag:s10] =	ssyncadd.s32 $0xFFFFFE00  }
0x6d: {  	[tilespmem:s12], [sflag:$0x2] =	stream.indirect.gather [hbm4b:s1+s6], $0x1, s30, s6, $0xb8;
	[tilespmem:$0x6A10] =	vst v63  }
0x6e: {  	_ =	swait.ge [sflag:s10], $0x200  }
0x6f: {  	[sflag:s10] =	ssyncset.done $0x0  }
0x70: {  	s12 =	simm.s32 $0x3A00;
	[sflag:s10] =	ssyncadd.s32 $0xFFFFFE00  }
0x71: {  	[tilespmem:s12], [sflag:$0x2] =	stream.indirect.gather [hbm4b:s1+s6], $0x1, s31, s6, $0xb8;
	[tilespmem:$0x6A10] =	vst v63  }
0x72: {  	_ =	swait.ge [sflag:s10], $0x200  }
0x73: {  	[sflag:s10] =	ssyncset.done $0x0  }
0x74: {  	s31 =	simm.s32 $0x3C00;
	[sflag:s10] =	ssyncadd.s32 $0xFFFFFE00  }
0x75: {  	[tilespmem:s31], [sflag:$0x2] =	stream.indirect.gather [hbm4b:s1+s6], $0x1, s13, s6, $0xb8;
	[tilespmem:$0x6A10] =	vst v63  }
0x76: {  	_ =	swait.ge [sflag:s10], $0x200  }
0x77: {  	[sflag:s10] =	ssyncset.done $0x0  }
0x78: {  	s31 =	simm.s32 $0x3E00;
	[sflag:s10] =	ssyncadd.s32 $0xFFFFFE00  }
0x79: {  	[tilespmem:s31], [sflag:$0x2] =	stream.indirect.gather [hbm4b:s1+s6], $0x1, s0, s6, $0xb8;
	[tilespmem:$0x6A10] =	vst v63  }
0x7a: {  	_ =	swait.ge [sflag:s10], $0x200  }
0x7b: {  	[sflag:s10] =	ssyncset.done $0x0  }
0x7c: {  	s12 =	simm.s32 $0x4000;
	[sflag:s10] =	ssyncadd.s32 $0xFFFFFE00  }
0x7d: {  	[tilespmem:s12], [sflag:$0x2] =	stream.indirect.gather [hbm4b:s1+s6], $0x1, s14, s6, $0xb8;
	[tilespmem:$0x6A10] =	vst v63  }
0x7e: {  	_ =	swait.ge [sflag:s10], $0x200  }
0x7f: {  	[sflag:s10] =	ssyncset.done $0x0  }
0x80: {  	s31 =	simm.s32 $0x4200;
	[sflag:s10] =	ssyncadd.s32 $0xFFFFFE00  }
0x81: {  	[tilespmem:s31], [sflag:$0x2] =	stream.indirect.gather [hbm4b:s1+s6], $0x1, s3, s6, $0xb8;
	[tilespmem:$0x6A10] =	vst v63  }
0x82: {  	_ =	swait.ge [sflag:s10], $0x200  }
0x83: {  	[sflag:s10] =	ssyncset.done $0x0  }
0x84: {  	s12 =	simm.s32 $0x4400;
	[sflag:s10] =	ssyncadd.s32 $0xFFFFFE00  }
0x85: {  	[tilespmem:s12], [sflag:$0x2] =	stream.indirect.gather [hbm4b:s1+s6], $0x1, s15, s6, $0xb8;
	[tilespmem:$0x6A10] =	vst v63  }
0x86: {  	_ =	swait.ge [sflag:s10], $0x200  }
0x87: {  	[sflag:s10] =	ssyncset.done $0x0  }
0x88: {  	s31 =	simm.s32 $0x4600;
	[sflag:s10] =	ssyncadd.s32 $0xFFFFFE00  }
0x89: {  	[tilespmem:s31], [sflag:$0x2] =	stream.indirect.gather [hbm4b:s1+s6], $0x1, s16, s6, $0xb8;
	[tilespmem:$0x6A10] =	vst v63  }
0x8a: {  	_ =	swait.ge [sflag:s10], $0x200  }
0x8b: {  	[sflag:s10] =	ssyncset.done $0x0  }
0x8c: {  	s12 =	simm.s32 $0x4800;
	[sflag:s10] =	ssyncadd.s32 $0xFFFFFE00  }
0x8d: {  	[tilespmem:s12], [sflag:$0x2] =	stream.indirect.gather [hbm4b:s1+s6], $0x1, s17, s6, $0xb8;
	[tilespmem:$0x6A10] =	vst v63  }
0x8e: {  	_ =	swait.ge [sflag:s10], $0x200  }
0x8f: {  	[sflag:s10] =	ssyncset.done $0x0  }
0x90: {  	s31 =	simm.s32 $0x4A00;
	[sflag:s10] =	ssyncadd.s32 $0xFFFFFE00  }
0x91: {  	[tilespmem:s31], [sflag:$0x2] =	stream.indirect.gather [hbm4b:s1+s6], $0x1, s18, s6, $0xb8;
	[tilespmem:$0x6A10] =	vst v63  }
0x92: {  	_ =	swait.ge [sflag:s10], $0x200  }
0x93: {  	[sflag:s10] =	ssyncset.done $0x0  }
0x94: {  	s12 =	simm.s32 $0x4C00;
	[sflag:s10] =	ssyncadd.s32 $0xFFFFFE00  }
0x95: {  	[tilespmem:s12], [sflag:$0x2] =	stream.indirect.gather [hbm4b:s1+s6], $0x1, s19, s6, $0xb8;
	[tilespmem:$0x6A10] =	vst v63  }
0x96: {  	_ =	swait.ge [sflag:s10], $0x200  }
0x97: {  	[sflag:s10] =	ssyncset.done $0x0  }
0x98: {  	s31 =	simm.s32 $0x4E00;
	[sflag:s10] =	ssyncadd.s32 $0xFFFFFE00  }
0x99: {  	[tilespmem:s31], [sflag:$0x2] =	stream.indirect.gather [hbm4b:s1+s6], $0x1, s20, s6, $0xb8;
	[tilespmem:$0x6A10] =	vst v63  }
0x9a: {  	_ =	swait.ge [sflag:s10], $0x200  }
0x9b: {  	[sflag:s10] =	ssyncset.done $0x0  }
0x9c: {  	s12 =	simm.s32 $0x5000;
	[sflag:s10] =	ssyncadd.s32 $0xFFFFFE00  }
0x9d: {  	[tilespmem:s12], [sflag:$0x2] =	stream.indirect.gather [hbm4b:s1+s6], $0x1, s21, s6, $0xb8;
	[tilespmem:$0x6A10] =	vst v63  }
0x9e: {  	_ =	swait.ge [sflag:s10], $0x200  }
0x9f: {  	[sflag:s10] =	ssyncset.done $0x0  }
0xa0: {  	s31 =	simm.s32 $0x5200;
	[sflag:s10] =	ssyncadd.s32 $0xFFFFFE00  }
0xa1: {  	[tilespmem:s31], [sflag:$0x2] =	stream.indirect.gather [hbm4b:s1+s6], $0x1, s22, s6, $0xb8;
	[tilespmem:$0x6A10] =	vst v63  }
0xa2: {  	_ =	swait.ge [sflag:s10], $0x200  }
0xa3: {  	[sflag:s10] =	ssyncset.done $0x0  }
0xa4: {  	s12 =	simm.s32 $0x5400;
	[sflag:s10] =	ssyncadd.s32 $0xFFFFFE00  }
0xa5: {  	[tilespmem:s12], [sflag:$0x2] =	stream.indirect.gather [hbm4b:s1+s6], $0x1, s23, s6, $0xb8;
	[tilespmem:$0x6A10] =	vst v63  }
0xa6: {  	_ =	swait.ge [sflag:s10], $0x200  }
0xa7: {  	[sflag:s10] =	ssyncset.done $0x0  }
0xa8: {  	s31 =	simm.s32 $0x5600;
	[sflag:s10] =	ssyncadd.s32 $0xFFFFFE00  }
0xa9: {  	[tilespmem:s31], [sflag:$0x2] =	stream.indirect.gather [hbm4b:s1+s6], $0x1, s24, s6, $0xb8;
	[tilespmem:$0x6A10] =	vst v63  }
0xaa: {  	_ =	swait.ge [sflag:s10], $0x200  }
0xab: {  	[sflag:s10] =	ssyncset.done $0x0  }
0xac: {  	s12 =	simm.s32 $0x5800;
	[sflag:s10] =	ssyncadd.s32 $0xFFFFFE00  }
0xad: {  	[tilespmem:s12], [sflag:$0x2] =	stream.indirect.gather [hbm4b:s1+s6], $0x1, s7, s6, $0xb8;
	[tilespmem:$0x6A10] =	vst v63  }
0xae: {  	_ =	swait.ge [sflag:s10], $0x200  }
0xaf: {  	[sflag:s10] =	ssyncset.done $0x0  }
0xb0: {  	s31 =	simm.s32 $0x5A00;
	[sflag:s10] =	ssyncadd.s32 $0xFFFFFE00  }
0xb1: {  	[tilespmem:s31], [sflag:$0x2] =	stream.indirect.gather [hbm4b:s1+s6], $0x1, s25, s6, $0xb8;
	[tilespmem:$0x6A10] =	vst v63  }
0xb2: {  	_ =	swait.ge [sflag:s10], $0x200  }
0xb3: {  	[sflag:s10] =	ssyncset.done $0x0  }
0xb4: {  	s12 =	simm.s32 $0x5C00;
	[sflag:s10] =	ssyncadd.s32 $0xFFFFFE00  }
0xb5: {  	[tilespmem:s12], [sflag:$0x2] =	stream.indirect.gather [hbm4b:s1+s6], $0x1, s8, s6, $0xb8;
	[tilespmem:$0x6A10] =	vst v63  }
0xb6: {  	_ =	swait.ge [sflag:s10], $0x200  }
0xb7: {  	[sflag:s10] =	ssyncset.done $0x0  }
0xb8: {  	s31 =	simm.s32 $0x5E00;
	[sflag:s10] =	ssyncadd.s32 $0xFFFFFE00  }
0xb9: {  	[tilespmem:s31], [sflag:$0x2] =	stream.indirect.gather [hbm4b:s1+s6], $0x1, s26, s6, $0xb8;
	[tilespmem:$0x6A10] =	vst v63  }
0xba: {  	_ =	swait.ge [sflag:s10], $0x200  }
0xbb: {  	[sflag:s10] =	ssyncset.done $0x0  }
0xbc: {  	s12 =	simm.s32 $0x6000;
	[sflag:s10] =	ssyncadd.s32 $0xFFFFFE00  }
0xbd: {  	[tilespmem:s12], [sflag:$0x2] =	stream.indirect.gather [hbm4b:s1+s6], $0x1, s9, s6, $0xb8;
	[tilespmem:$0x6A10] =	vst v63  }
0xbe: {  	_ =	swait.ge [sflag:s10], $0x200  }
0xbf: {  	[sflag:s10] =	ssyncset.done $0x0  }
0xc0: {  	s31 =	simm.s32 $0x6200;
	[sflag:s10] =	ssyncadd.s32 $0xFFFFFE00  }
0xc1: {  	[tilespmem:s31], [sflag:$0x2] =	stream.indirect.gather [hbm4b:s1+s6], $0x1, s28, s6, $0xb8;
	[tilespmem:$0x6A10] =	vst v63  }
0xc2: {  	_ =	swait.ge [sflag:s10], $0x200  }
0xc3: {  	[sflag:s10] =	ssyncset.done $0x0  }
0xc4: {  	s12 =	simm.s32 $0x6400;
	[sflag:s10] =	ssyncadd.s32 $0xFFFFFE00  }
0xc5: {  	[tilespmem:s12], [sflag:$0x2] =	stream.indirect.gather [hbm4b:s1+s6], $0x1, s5, s6, $0xb8;
	[tilespmem:$0x6A10] =	vst v63  }
0xc6: {  	_ =	swait.ge [sflag:s10], $0x200  }
0xc7: {  	[sflag:s10] =	ssyncset.done $0x0  }
0xc8: {  	s31 =	simm.s32 $0x6600;
	[sflag:s10] =	ssyncadd.s32 $0xFFFFFE00  }
0xc9: {  	[tilespmem:s31], [sflag:$0x2] =	stream.indirect.gather [hbm4b:s1+s6], $0x1, s2, s6, $0xb8;
	[tilespmem:$0x6A10] =	vst v63  }
0xca: {  	v0 =	vld.msk [tilespmem:$0x6A00 ss:$0x0], $0xffff;
	_ =	swait.ge [sflag:s29], $0x200  }
0xcb: {  	[sflag:s29] =	ssyncset.done $0x0  }
0xcc: {  	s12 =	simm.s32 $0x0;
	[sflag:s29] =	ssyncadd.s32 $0xFFFFFE00  }
0xcd: {  	v1 =	vld [tilespmem:s12+$0x3400]  }
0xce: {  	s30 =	simm.s32 $0x40  }
.LBB2_2:
0xcf: {  	p0 =	sne.s32 s30, $0x7C0  }
.Ltmp0:
0xd0: {  	_ = 	snop;
	(pc) =	sbr.rel @p0 .LBB2_2-.Ltmp0, $4  }
0xd1: {  	_ = 	snop  }
0xd2: {  	s31 =	sshra.s32 s30, $0x2;
	s30 =	sadd.s32 $0x40, s30;
	v2 =	vadd.f32 v1, v0  }
0xd3: {  	v1 =	vld [tilespmem:s31+$0x3400]  }
0xd4: {  	[tilespmem:s12+$0x6800] =	vst v2;
	s12 =	smov.u32 s31  }
0xd5: {  	_ =	sdelay $0x2  }
0xd6: {  	v0 =	vadd.f32 v1, v0;
	_ =	sdelay $0x1  }
0xd7: {  	[tilespmem:s12+$0x6800] =	vst v0  }
0xd8: {  	_ =	swait.ge [sflag:s29], $0x200  }
0xd9: {  	[sflag:s29] =	ssyncset.done $0x0  }
0xda: {  	s12 =	simm.s32 $0x0;
	[sflag:s29] =	ssyncadd.s32 $0xFFFFFE00  }
0xdb: {  	s30 =	simm.s32 $0x40;
	v0 =	vld [tilespmem:s12+$0x3600]  }
.LBB2_4:
0xdc: {  	p0 =	sne.s32 s30, $0x7C0  }
.Ltmp1:
0xdd: {  	_ = 	snop;
	(pc) =	sbr.rel @p0 .LBB2_4-.Ltmp1, $3  }
0xde: {  	_ =	sdelay $0x1  }
0xdf: {  	[tilespmem:s12+$0x6800] =	vst.add.f32.msk $0xffff, v0;
	s12 =	sshra.s32 s30, $0x2;
	s30 =	sadd.s32 $0x40, s30  }
0xe0: {  	v0 =	vld [tilespmem:s12+$0x3600]  }
0xe1: {  	_ =	sdelay $0x3  }
0xe2: {  	[tilespmem:s12+$0x6800] =	vst.add.f32.msk $0xffff, v0  }
0xe3: {  	_ =	swait.ge [sflag:s29], $0x200  }
0xe4: {  	[sflag:s29] =	ssyncset.done $0x0  }
0xe5: {  	s12 =	simm.s32 $0x0;
	[sflag:s29] =	ssyncadd.s32 $0xFFFFFE00  }
0xe6: {  	s30 =	simm.s32 $0x40;
	s0 =	simm.s32 $0x3;
	v0 =	vld [tilespmem:s12+$0x3800]  }
.LBB2_6:
0xe7: {  	p0 =	sne.s32 s30, $0x7C0  }
.Ltmp2:
0xe8: {  	_ = 	snop;
	(pc) =	sbr.rel @p0 .LBB2_6-.Ltmp2, $3  }
0xe9: {  	_ =	sdelay $0x1  }
0xea: {  	[tilespmem:s12+$0x6800] =	vst.add.f32.msk $0xffff, v0;
	s12 =	sshra.s32 s30, $0x2;
	s30 =	sadd.s32 $0x40, s30  }
0xeb: {  	v0 =	vld [tilespmem:s12+$0x3800]  }
0xec: {  	_ =	sdelay $0x3  }
0xed: {  	[tilespmem:s12+$0x6800] =	vst.add.f32.msk $0xffff, v0  }
0xee: {  	_ =	swait.ge [sflag:s29], $0x200  }
0xef: {  	[sflag:s29] =	ssyncset.done $0x0  }
0xf0: {  	s12 =	simm.s32 $0x0;
	[sflag:s29] =	ssyncadd.s32 $0xFFFFFE00  }
0xf1: {  	s30 =	simm.s32 $0x40;
	v0 =	vld [tilespmem:s12+$0x3A00]  }
.LBB2_8:
0xf2: {  	p0 =	sne.s32 s30, $0x7C0  }
.Ltmp3:
0xf3: {  	_ = 	snop;
	(pc) =	sbr.rel @p0 .LBB2_8-.Ltmp3, $3  }
0xf4: {  	_ =	sdelay $0x1  }
0xf5: {  	[tilespmem:s12+$0x6800] =	vst.add.f32.msk $0xffff, v0;
	s12 =	sshra.s32 s30, $0x2;
	s30 =	sadd.s32 $0x40, s30  }
0xf6: {  	v0 =	vld [tilespmem:s12+$0x3A00]  }
0xf7: {  	_ =	sdelay $0x3  }
0xf8: {  	[tilespmem:s12+$0x6800] =	vst.add.f32.msk $0xffff, v0  }
0xf9: {  	_ =	swait.ge [sflag:s29], $0x200  }
0xfa: {  	[sflag:s29] =	ssyncset.done $0x0  }
0xfb: {  	s12 =	simm.s32 $0x0;
	[sflag:s29] =	ssyncadd.s32 $0xFFFFFE00  }
0xfc: {  	s30 =	simm.s32 $0x40;
	v0 =	vld [tilespmem:s12+$0x3C00]  }
.LBB2_10:
0xfd: {  	p0 =	sne.s32 s30, $0x7C0  }
.Ltmp4:
0xfe: {  	_ = 	snop;
	(pc) =	sbr.rel @p0 .LBB2_10-.Ltmp4, $3  }
0xff: {  	_ =	sdelay $0x1  }
0x100: {  	[tilespmem:s12+$0x6800] =	vst.add.f32.msk $0xffff, v0;
	s12 =	sshra.s32 s30, $0x2;
	s30 =	sadd.s32 $0x40, s30  }
0x101: {  	v0 =	vld [tilespmem:s12+$0x3C00]  }
0x102: {  	_ =	sdelay $0x3  }
0x103: {  	[tilespmem:s12+$0x6800] =	vst.add.f32.msk $0xffff, v0  }
0x104: {  	_ =	swait.ge [sflag:s29], $0x200  }
0x105: {  	[sflag:s29] =	ssyncset.done $0x0  }
0x106: {  	s12 =	simm.s32 $0x0;
	[sflag:s29] =	ssyncadd.s32 $0xFFFFFE00  }
0x107: {  	s30 =	simm.s32 $0x40;
	v0 =	vld [tilespmem:s12+$0x3E00]  }
.LBB2_12:
0x108: {  	p0 =	sne.s32 s30, $0x7C0  }
.Ltmp5:
0x109: {  	_ = 	snop;
	(pc) =	sbr.rel @p0 .LBB2_12-.Ltmp5, $3  }
0x10a: {  	_ =	sdelay $0x1  }
0x10b: {  	[tilespmem:s12+$0x6800] =	vst.add.f32.msk $0xffff, v0;
	s12 =	sshra.s32 s30, $0x2;
	s30 =	sadd.s32 $0x40, s30  }
0x10c: {  	v0 =	vld [tilespmem:s12+$0x3E00]  }
0x10d: {  	_ =	sdelay $0x3  }
0x10e: {  	[tilespmem:s12+$0x6800] =	vst.add.f32.msk $0xffff, v0  }
0x10f: {  	_ =	swait.ge [sflag:s29], $0x200  }
0x110: {  	[sflag:s29] =	ssyncset.done $0x0  }
0x111: {  	s12 =	simm.s32 $0x0;
	[sflag:s29] =	ssyncadd.s32 $0xFFFFFE00  }
0x112: {  	s30 =	simm.s32 $0x40;
	v0 =	vld [tilespmem:s12+$0x4000]  }
.LBB2_14:
0x113: {  	p0 =	sne.s32 s30, $0x7C0  }
.Ltmp6:
0x114: {  	_ = 	snop;
	(pc) =	sbr.rel @p0 .LBB2_14-.Ltmp6, $3  }
0x115: {  	_ =	sdelay $0x1  }
0x116: {  	[tilespmem:s12+$0x6800] =	vst.add.f32.msk $0xffff, v0;
	s12 =	sshra.s32 s30, $0x2;
	s30 =	sadd.s32 $0x40, s30  }
0x117: {  	v0 =	vld [tilespmem:s12+$0x4000]  }
0x118: {  	_ =	sdelay $0x3  }
0x119: {  	[tilespmem:s12+$0x6800] =	vst.add.f32.msk $0xffff, v0  }
0x11a: {  	_ =	swait.ge [sflag:s29], $0x200  }
0x11b: {  	[sflag:s29] =	ssyncset.done $0x0  }
0x11c: {  	s12 =	simm.s32 $0x0;
	[sflag:s29] =	ssyncadd.s32 $0xFFFFFE00  }
0x11d: {  	s30 =	simm.s32 $0x40;
	v0 =	vld [tilespmem:s12+$0x4200]  }
.LBB2_16:
0x11e: {  	p0 =	sne.s32 s30, $0x7C0  }
.Ltmp7:
0x11f: {  	_ = 	snop;
	(pc) =	sbr.rel @p0 .LBB2_16-.Ltmp7, $3  }
0x120: {  	_ =	sdelay $0x1  }
0x121: {  	[tilespmem:s12+$0x6800] =	vst.add.f32.msk $0xffff, v0;
	s12 =	sshra.s32 s30, $0x2;
	s30 =	sadd.s32 $0x40, s30  }
0x122: {  	v0 =	vld [tilespmem:s12+$0x4200]  }
0x123: {  	_ =	sdelay $0x3  }
0x124: {  	[tilespmem:s12+$0x6800] =	vst.add.f32.msk $0xffff, v0  }
0x125: {  	_ =	swait.ge [sflag:s29], $0x200  }
0x126: {  	[sflag:s29] =	ssyncset.done $0x0  }
0x127: {  	s12 =	simm.s32 $0x0;
	[sflag:s29] =	ssyncadd.s32 $0xFFFFFE00  }
0x128: {  	s30 =	simm.s32 $0x40;
	v0 =	vld [tilespmem:s12+$0x4400]  }
.LBB2_18:
0x129: {  	p0 =	sne.s32 s30, $0x7C0  }
.Ltmp8:
0x12a: {  	_ = 	snop;
	(pc) =	sbr.rel @p0 .LBB2_18-.Ltmp8, $3  }
0x12b: {  	_ =	sdelay $0x1  }
0x12c: {  	[tilespmem:s12+$0x6800] =	vst.add.f32.msk $0xffff, v0;
	s12 =	sshra.s32 s30, $0x2;
	s30 =	sadd.s32 $0x40, s30  }
0x12d: {  	v0 =	vld [tilespmem:s12+$0x4400]  }
0x12e: {  	_ =	sdelay $0x3  }
0x12f: {  	[tilespmem:s12+$0x6800] =	vst.add.f32.msk $0xffff, v0  }
0x130: {  	_ =	swait.ge [sflag:s29], $0x200  }
0x131: {  	[sflag:s29] =	ssyncset.done $0x0  }
0x132: {  	s12 =	simm.s32 $0x0;
	[sflag:s29] =	ssyncadd.s32 $0xFFFFFE00  }
0x133: {  	s30 =	simm.s32 $0x40;
	v0 =	vld [tilespmem:s12+$0x4600]  }
.LBB2_20:
0x134: {  	p0 =	sne.s32 s30, $0x7C0  }
.Ltmp9:
0x135: {  	_ = 	snop;
	(pc) =	sbr.rel @p0 .LBB2_20-.Ltmp9, $3  }
0x136: {  	_ =	sdelay $0x1  }
0x137: {  	[tilespmem:s12+$0x6800] =	vst.add.f32.msk $0xffff, v0;
	s12 =	sshra.s32 s30, $0x2;
	s30 =	sadd.s32 $0x40, s30  }
0x138: {  	v0 =	vld [tilespmem:s12+$0x4600]  }
0x139: {  	_ =	sdelay $0x3  }
0x13a: {  	[tilespmem:s12+$0x6800] =	vst.add.f32.msk $0xffff, v0  }
0x13b: {  	_ =	swait.ge [sflag:s29], $0x200  }
0x13c: {  	[sflag:s29] =	ssyncset.done $0x0  }
0x13d: {  	s12 =	simm.s32 $0x0;
	[sflag:s29] =	ssyncadd.s32 $0xFFFFFE00  }
0x13e: {  	s30 =	simm.s32 $0x40;
	v0 =	vld [tilespmem:s12+$0x4800]  }
.LBB2_22:
0x13f: {  	p0 =	sne.s32 s30, $0x7C0  }
.Ltmp10:
0x140: {  	_ = 	snop;
	(pc) =	sbr.rel @p0 .LBB2_22-.Ltmp10, $3  }
0x141: {  	_ =	sdelay $0x1  }
0x142: {  	[tilespmem:s12+$0x6800] =	vst.add.f32.msk $0xffff, v0;
	s12 =	sshra.s32 s30, $0x2;
	s30 =	sadd.s32 $0x40, s30  }
0x143: {  	v0 =	vld [tilespmem:s12+$0x4800]  }
0x144: {  	_ =	sdelay $0x3  }
0x145: {  	[tilespmem:s12+$0x6800] =	vst.add.f32.msk $0xffff, v0  }
0x146: {  	_ =	swait.ge [sflag:s29], $0x200  }
0x147: {  	[sflag:s29] =	ssyncset.done $0x0  }
0x148: {  	s12 =	simm.s32 $0x0;
	[sflag:s29] =	ssyncadd.s32 $0xFFFFFE00  }
0x149: {  	s30 =	simm.s32 $0x40;
	v0 =	vld [tilespmem:s12+$0x4A00]  }
.LBB2_24:
0x14a: {  	p0 =	sne.s32 s30, $0x7C0  }
.Ltmp11:
0x14b: {  	_ = 	snop;
	(pc) =	sbr.rel @p0 .LBB2_24-.Ltmp11, $3  }
0x14c: {  	_ =	sdelay $0x1  }
0x14d: {  	[tilespmem:s12+$0x6800] =	vst.add.f32.msk $0xffff, v0;
	s12 =	sshra.s32 s30, $0x2;
	s30 =	sadd.s32 $0x40, s30  }
0x14e: {  	v0 =	vld [tilespmem:s12+$0x4A00]  }
0x14f: {  	_ =	sdelay $0x3  }
0x150: {  	[tilespmem:s12+$0x6800] =	vst.add.f32.msk $0xffff, v0  }
0x151: {  	_ =	swait.ge [sflag:s29], $0x200  }
0x152: {  	[sflag:s29] =	ssyncset.done $0x0  }
0x153: {  	s12 =	simm.s32 $0x0;
	[sflag:s29] =	ssyncadd.s32 $0xFFFFFE00  }
0x154: {  	s30 =	simm.s32 $0x40;
	v0 =	vld [tilespmem:s12+$0x4C00]  }
.LBB2_26:
0x155: {  	p0 =	sne.s32 s30, $0x7C0  }
.Ltmp12:
0x156: {  	_ = 	snop;
	(pc) =	sbr.rel @p0 .LBB2_26-.Ltmp12, $3  }
0x157: {  	_ =	sdelay $0x1  }
0x158: {  	[tilespmem:s12+$0x6800] =	vst.add.f32.msk $0xffff, v0;
	s12 =	sshra.s32 s30, $0x2;
	s30 =	sadd.s32 $0x40, s30  }
0x159: {  	v0 =	vld [tilespmem:s12+$0x4C00]  }
0x15a: {  	_ =	sdelay $0x3  }
0x15b: {  	[tilespmem:s12+$0x6800] =	vst.add.f32.msk $0xffff, v0  }
0x15c: {  	_ =	swait.ge [sflag:s29], $0x200  }
0x15d: {  	[sflag:s29] =	ssyncset.done $0x0  }
0x15e: {  	s12 =	simm.s32 $0x0;
	[sflag:s29] =	ssyncadd.s32 $0xFFFFFE00  }
0x15f: {  	s30 =	simm.s32 $0x40;
	v0 =	vld [tilespmem:s12+$0x4E00]  }
.LBB2_28:
0x160: {  	p0 =	sne.s32 s30, $0x7C0  }
.Ltmp13:
0x161: {  	_ = 	snop;
	(pc) =	sbr.rel @p0 .LBB2_28-.Ltmp13, $3  }
0x162: {  	_ =	sdelay $0x1  }
0x163: {  	[tilespmem:s12+$0x6800] =	vst.add.f32.msk $0xffff, v0;
	s12 =	sshra.s32 s30, $0x2;
	s30 =	sadd.s32 $0x40, s30  }
0x164: {  	v0 =	vld [tilespmem:s12+$0x4E00]  }
0x165: {  	_ =	sdelay $0x3  }
0x166: {  	[tilespmem:s12+$0x6800] =	vst.add.f32.msk $0xffff, v0  }
0x167: {  	_ =	swait.ge [sflag:s29], $0x200  }
0x168: {  	[sflag:s29] =	ssyncset.done $0x0  }
0x169: {  	s12 =	simm.s32 $0x0;
	[sflag:s29] =	ssyncadd.s32 $0xFFFFFE00  }
0x16a: {  	s30 =	simm.s32 $0x40;
	v0 =	vld [tilespmem:s12+$0x5000]  }
.LBB2_30:
0x16b: {  	p0 =	sne.s32 s30, $0x7C0  }
.Ltmp14:
0x16c: {  	_ = 	snop;
	(pc) =	sbr.rel @p0 .LBB2_30-.Ltmp14, $3  }
0x16d: {  	_ =	sdelay $0x1  }
0x16e: {  	[tilespmem:s12+$0x6800] =	vst.add.f32.msk $0xffff, v0;
	s12 =	sshra.s32 s30, $0x2;
	s30 =	sadd.s32 $0x40, s30  }
0x16f: {  	v0 =	vld [tilespmem:s12+$0x5000]  }
0x170: {  	_ =	sdelay $0x3  }
0x171: {  	[tilespmem:s12+$0x6800] =	vst.add.f32.msk $0xffff, v0  }
0x172: {  	_ =	swait.ge [sflag:s29], $0x200  }
0x173: {  	[sflag:s29] =	ssyncset.done $0x0  }
0x174: {  	s12 =	simm.s32 $0x0;
	[sflag:s29] =	ssyncadd.s32 $0xFFFFFE00  }
0x175: {  	s30 =	simm.s32 $0x40;
	v0 =	vld [tilespmem:s12+$0x5200]  }
.LBB2_32:
0x176: {  	p0 =	sne.s32 s30, $0x7C0  }
.Ltmp15:
0x177: {  	_ = 	snop;
	(pc) =	sbr.rel @p0 .LBB2_32-.Ltmp15, $3  }
0x178: {  	_ =	sdelay $0x1  }
0x179: {  	[tilespmem:s12+$0x6800] =	vst.add.f32.msk $0xffff, v0;
	s12 =	sshra.s32 s30, $0x2;
	s30 =	sadd.s32 $0x40, s30  }
0x17a: {  	v0 =	vld [tilespmem:s12+$0x5200]  }
0x17b: {  	_ =	sdelay $0x3  }
0x17c: {  	[tilespmem:s12+$0x6800] =	vst.add.f32.msk $0xffff, v0  }
0x17d: {  	_ =	swait.ge [sflag:s29], $0x200  }
0x17e: {  	[sflag:s29] =	ssyncset.done $0x0  }
0x17f: {  	s12 =	simm.s32 $0x0;
	[sflag:s29] =	ssyncadd.s32 $0xFFFFFE00  }
0x180: {  	s30 =	simm.s32 $0x40;
	v0 =	vld [tilespmem:s12+$0x5400]  }
.LBB2_34:
0x181: {  	p0 =	sne.s32 s30, $0x7C0  }
.Ltmp16:
0x182: {  	_ = 	snop;
	(pc) =	sbr.rel @p0 .LBB2_34-.Ltmp16, $3  }
0x183: {  	_ =	sdelay $0x1  }
0x184: {  	[tilespmem:s12+$0x6800] =	vst.add.f32.msk $0xffff, v0;
	s12 =	sshra.s32 s30, $0x2;
	s30 =	sadd.s32 $0x40, s30  }
0x185: {  	v0 =	vld [tilespmem:s12+$0x5400]  }
0x186: {  	_ =	sdelay $0x3  }
0x187: {  	[tilespmem:s12+$0x6800] =	vst.add.f32.msk $0xffff, v0  }
0x188: {  	_ =	swait.ge [sflag:s29], $0x200  }
0x189: {  	[sflag:s29] =	ssyncset.done $0x0  }
0x18a: {  	s12 =	simm.s32 $0x0;
	[sflag:s29] =	ssyncadd.s32 $0xFFFFFE00  }
0x18b: {  	s30 =	simm.s32 $0x40;
	v0 =	vld [tilespmem:s12+$0x5600]  }
.LBB2_36:
0x18c: {  	p0 =	sne.s32 s30, $0x7C0  }
.Ltmp17:
0x18d: {  	_ = 	snop;
	(pc) =	sbr.rel @p0 .LBB2_36-.Ltmp17, $3  }
0x18e: {  	_ =	sdelay $0x1  }
0x18f: {  	[tilespmem:s12+$0x6800] =	vst.add.f32.msk $0xffff, v0;
	s12 =	sshra.s32 s30, $0x2;
	s30 =	sadd.s32 $0x40, s30  }
0x190: {  	v0 =	vld [tilespmem:s12+$0x5600]  }
0x191: {  	_ =	sdelay $0x3  }
0x192: {  	[tilespmem:s12+$0x6800] =	vst.add.f32.msk $0xffff, v0  }
0x193: {  	_ =	swait.ge [sflag:s29], $0x200  }
0x194: {  	[sflag:s29] =	ssyncset.done $0x0  }
0x195: {  	s12 =	simm.s32 $0x0;
	[sflag:s29] =	ssyncadd.s32 $0xFFFFFE00  }
0x196: {  	s30 =	simm.s32 $0x40;
	v0 =	vld [tilespmem:s12+$0x5800]  }
.LBB2_38:
0x197: {  	p0 =	sne.s32 s30, $0x7C0  }
.Ltmp18:
0x198: {  	_ = 	snop;
	(pc) =	sbr.rel @p0 .LBB2_38-.Ltmp18, $3  }
0x199: {  	_ =	sdelay $0x1  }
0x19a: {  	[tilespmem:s12+$0x6800] =	vst.add.f32.msk $0xffff, v0;
	s12 =	sshra.s32 s30, $0x2;
	s30 =	sadd.s32 $0x40, s30  }
0x19b: {  	v0 =	vld [tilespmem:s12+$0x5800]  }
0x19c: {  	_ =	sdelay $0x3  }
0x19d: {  	[tilespmem:s12+$0x6800] =	vst.add.f32.msk $0xffff, v0  }
0x19e: {  	_ =	swait.ge [sflag:s29], $0x200  }
0x19f: {  	[sflag:s29] =	ssyncset.done $0x0  }
0x1a0: {  	s12 =	simm.s32 $0x0;
	[sflag:s29] =	ssyncadd.s32 $0xFFFFFE00  }
0x1a1: {  	s30 =	simm.s32 $0x40;
	v0 =	vld [tilespmem:s12+$0x5A00]  }
.LBB2_40:
0x1a2: {  	p0 =	sne.s32 s30, $0x7C0  }
.Ltmp19:
0x1a3: {  	_ = 	snop;
	(pc) =	sbr.rel @p0 .LBB2_40-.Ltmp19, $3  }
0x1a4: {  	_ =	sdelay $0x1  }
0x1a5: {  	[tilespmem:s12+$0x6800] =	vst.add.f32.msk $0xffff, v0;
	s12 =	sshra.s32 s30, $0x2;
	s30 =	sadd.s32 $0x40, s30  }
0x1a6: {  	v0 =	vld [tilespmem:s12+$0x5A00]  }
0x1a7: {  	_ =	sdelay $0x3  }
0x1a8: {  	[tilespmem:s12+$0x6800] =	vst.add.f32.msk $0xffff, v0  }
0x1a9: {  	_ =	swait.ge [sflag:s29], $0x200  }
0x1aa: {  	[sflag:s29] =	ssyncset.done $0x0  }
0x1ab: {  	s12 =	simm.s32 $0x0;
	[sflag:s29] =	ssyncadd.s32 $0xFFFFFE00  }
0x1ac: {  	s30 =	simm.s32 $0x40;
	v0 =	vld [tilespmem:s12+$0x5C00]  }
.LBB2_42:
0x1ad: {  	p0 =	sne.s32 s30, $0x7C0  }
.Ltmp20:
0x1ae: {  	_ = 	snop;
	(pc) =	sbr.rel @p0 .LBB2_42-.Ltmp20, $3  }
0x1af: {  	_ =	sdelay $0x1  }
0x1b0: {  	[tilespmem:s12+$0x6800] =	vst.add.f32.msk $0xffff, v0;
	s12 =	sshra.s32 s30, $0x2;
	s30 =	sadd.s32 $0x40, s30  }
0x1b1: {  	v0 =	vld [tilespmem:s12+$0x5C00]  }
0x1b2: {  	_ =	sdelay $0x3  }
0x1b3: {  	[tilespmem:s12+$0x6800] =	vst.add.f32.msk $0xffff, v0  }
0x1b4: {  	_ =	swait.ge [sflag:s29], $0x200  }
0x1b5: {  	[sflag:s29] =	ssyncset.done $0x0  }
0x1b6: {  	s12 =	simm.s32 $0x0;
	[sflag:s29] =	ssyncadd.s32 $0xFFFFFE00  }
0x1b7: {  	s30 =	simm.s32 $0x40;
	v0 =	vld [tilespmem:s12+$0x5E00]  }
.LBB2_44:
0x1b8: {  	p0 =	sne.s32 s30, $0x7C0  }
.Ltmp21:
0x1b9: {  	_ = 	snop;
	(pc) =	sbr.rel @p0 .LBB2_44-.Ltmp21, $3  }
0x1ba: {  	_ =	sdelay $0x1  }
0x1bb: {  	[tilespmem:s12+$0x6800] =	vst.add.f32.msk $0xffff, v0;
	s12 =	sshra.s32 s30, $0x2;
	s30 =	sadd.s32 $0x40, s30  }
0x1bc: {  	v0 =	vld [tilespmem:s12+$0x5E00]  }
0x1bd: {  	_ =	sdelay $0x3  }
0x1be: {  	[tilespmem:s12+$0x6800] =	vst.add.f32.msk $0xffff, v0  }
0x1bf: {  	_ =	swait.ge [sflag:s29], $0x200  }
0x1c0: {  	[sflag:s29] =	ssyncset.done $0x0  }
0x1c1: {  	s12 =	simm.s32 $0x0;
	[sflag:s29] =	ssyncadd.s32 $0xFFFFFE00  }
0x1c2: {  	s30 =	simm.s32 $0x40;
	v0 =	vld [tilespmem:s12+$0x6000]  }
.LBB2_46:
0x1c3: {  	p0 =	sne.s32 s30, $0x7C0  }
.Ltmp22:
0x1c4: {  	_ = 	snop;
	(pc) =	sbr.rel @p0 .LBB2_46-.Ltmp22, $3  }
0x1c5: {  	_ =	sdelay $0x1  }
0x1c6: {  	[tilespmem:s12+$0x6800] =	vst.add.f32.msk $0xffff, v0;
	s12 =	sshra.s32 s30, $0x2;
	s30 =	sadd.s32 $0x40, s30  }
0x1c7: {  	v0 =	vld [tilespmem:s12+$0x6000]  }
0x1c8: {  	_ =	sdelay $0x3  }
0x1c9: {  	[tilespmem:s12+$0x6800] =	vst.add.f32.msk $0xffff, v0  }
0x1ca: {  	_ =	swait.ge [sflag:s29], $0x200  }
0x1cb: {  	[sflag:s29] =	ssyncset.done $0x0  }
0x1cc: {  	s12 =	simm.s32 $0x0;
	[sflag:s29] =	ssyncadd.s32 $0xFFFFFE00  }
0x1cd: {  	s30 =	simm.s32 $0x40;
	v0 =	vld [tilespmem:s12+$0x6200]  }
.LBB2_48:
0x1ce: {  	p0 =	sne.s32 s30, $0x7C0  }
.Ltmp23:
0x1cf: {  	_ = 	snop;
	(pc) =	sbr.rel @p0 .LBB2_48-.Ltmp23, $3  }
0x1d0: {  	_ =	sdelay $0x1  }
0x1d1: {  	[tilespmem:s12+$0x6800] =	vst.add.f32.msk $0xffff, v0;
	s12 =	sshra.s32 s30, $0x2;
	s30 =	sadd.s32 $0x40, s30  }
0x1d2: {  	v0 =	vld [tilespmem:s12+$0x6200]  }
0x1d3: {  	_ =	sdelay $0x3  }
0x1d4: {  	[tilespmem:s12+$0x6800] =	vst.add.f32.msk $0xffff, v0  }
0x1d5: {  	_ =	swait.ge [sflag:s29], $0x200  }
0x1d6: {  	[sflag:s29] =	ssyncset.done $0x0  }
0x1d7: {  	s12 =	simm.s32 $0x0;
	[sflag:s29] =	ssyncadd.s32 $0xFFFFFE00  }
0x1d8: {  	s30 =	simm.s32 $0x40;
	v0 =	vld [tilespmem:s12+$0x6400]  }
.LBB2_50:
0x1d9: {  	p0 =	sne.s32 s30, $0x7C0  }
.Ltmp24:
0x1da: {  	_ = 	snop;
	(pc) =	sbr.rel @p0 .LBB2_50-.Ltmp24, $3  }
0x1db: {  	_ =	sdelay $0x1  }
0x1dc: {  	[tilespmem:s12+$0x6800] =	vst.add.f32.msk $0xffff, v0;
	s12 =	sshra.s32 s30, $0x2;
	s30 =	sadd.s32 $0x40, s30  }
0x1dd: {  	v0 =	vld [tilespmem:s12+$0x6400]  }
0x1de: {  	_ =	sdelay $0x3  }
0x1df: {  	[tilespmem:s12+$0x6800] =	vst.add.f32.msk $0xffff, v0  }
0x1e0: {  	_ =	swait.ge [sflag:s29], $0x200  }
0x1e1: {  	[sflag:s29] =	ssyncset.done $0x0  }
0x1e2: {  	s12 =	simm.s32 $0x0;
	[sflag:s29] =	ssyncadd.s32 $0xFFFFFE00  }
0x1e3: {  	s30 =	simm.s32 $0x40;
	v0 =	vld [tilespmem:s12+$0x6600]  }
.LBB2_52:
0x1e4: {  	p0 =	sne.s32 s30, $0x7C0  }
.Ltmp25:
0x1e5: {  	_ = 	snop;
	(pc) =	sbr.rel @p0 .LBB2_52-.Ltmp25, $3  }
0x1e6: {  	_ =	sdelay $0x1  }
0x1e7: {  	[tilespmem:s12+$0x6800] =	vst.add.f32.msk $0xffff, v0;
	s12 =	sshra.s32 s30, $0x2;
	s30 =	sadd.s32 $0x40, s30  }
0x1e8: {  	v0 =	vld [tilespmem:s12+$0x6600]  }
0x1e9: {  	_ =	sdelay $0x3  }
0x1ea: {  	s30 =	simm.s32 $0x0;
	[tilespmem:s12+$0x6800] =	vst.add.f32.msk $0xffff, v0;
	s12 =	simm.s32 $0x40  }
.LBB2_54:
0x1eb: {  	p0 =	sne.s32 s12, $0x7C0;
	v0 =	vld [tilespmem:s30+$0x6800];
	_ =	sdelay $0x4  }
0x1ec: {  	v0 =	vmax.f32 v0, $-3.000000000e+01  }
0x1ed: {  	v0 =	vmin.f32 v0, $3.000000000e+01  }
0x1ee: {  	v0 =	vsub.f32 $0.0e+00, v0;
	_ =	sdelay $0x1  }
0x1ef: {  	v0 =	vmul.f32 $1.442695020e+00, v0;
	_ =	sdelay $0x1  }
0x1f0: {  	(erf) = vpow2.f32 v0;
	_ =	sdelay $0x8  }
0x1f1: {  	v0 =	vpop (erf)  }
0x1f2: {  	v0 =	vadd.f32 $1.000000000e+00, v0;
	_ =	sdelay $0x1  }
0x1f3: {  	(erf) = vrcp.f32 v0;
	_ =	sdelay $0x5  }
.Ltmp26:
0x1f4: {  	(pc) =	sbr.rel @p0 .LBB2_54-.Ltmp26, $3  }
0x1f5: {  	_ =	sdelay $0x1  }
0x1f6: {  	v0 =	vpop (erf)  }
0x1f7: {  	[tilespmem:s30+$0x6800] =	vst v0;
	s30 =	sshra.s32 s12, $0x2;
	s12 =	sadd.s32 $0x40, s12  }
0x1f8: {  	v0 =	vld [tilespmem:s30+$0x6800];
	_ =	sdelay $0x4  }
0x1f9: {  	v0 =	vmax.f32 v0, $-3.000000000e+01  }
0x1fa: {  	v0 =	vmin.f32 v0, $3.000000000e+01  }
0x1fb: {  	v0 =	vsub.f32 $0.0e+00, v0;
	_ =	sdelay $0x1  }
0x1fc: {  	v0 =	vmul.f32 $1.442695020e+00, v0;
	_ =	sdelay $0x1  }
0x1fd: {  	(erf) = vpow2.f32 v0;
	_ =	sdelay $0x8  }
0x1fe: {  	v0 =	vpop (erf)  }
0x1ff: {  	v0 =	vadd.f32 $1.000000000e+00, v0;
	_ =	sdelay $0x1  }
0x200: {  	(erf) = vrcp.f32 v0;
	_ =	sdelay $0x8  }
0x201: {  	v0 =	vpop (erf)  }
0x202: {  	s12 =	rddreg [dreg:$0x16];
	s2 =	simm.s32 $0x6800;
	[tilespmem:s30+$0x6800] =	vst v0  }
0x203: {  	[hbm4b:s12+s4] =	stream.linear.scatter [tilespmem:s2], [sflag:$0x3], $0x200, $0x38;
	[tilespmem:$0x6A10] =	vst v63  }
0x204: {  	_ =	swait.ge [sflag:s0], $0x200  }
0x205: {  	s11 =	sadd.s32 $0x1, s11;
	s31 =	rddreg [dreg:$0x18]  }
0x206: {  	p0 =	sne.s32 s11, s31  }
.Ltmp27:
0x207: {  	_ = 	snop;
	(pc) =	sbr.rel @p0 .LBB2_1-.Ltmp27, $3  }
0x208: {  	_ =	sdelay $0x1  }
0x209: {  	[sflag:s0] =	ssyncset.done $0x0  }
0x20a: {  	[sflag:s0] =	ssyncadd.s32 $0xFFFFFE00  }
0x20b: {  	_ =	sfence.sel $0x180000  }
0x20c: {  	[bflag:$0x0] =	sbarrier.arrive $0xFFFF  }
0x20d: {  	_ =	strace $0x90000047  }
0x20e: {  	s0 =	stileid.u32;
	[bflag:$0x2] =	sbarrier.arrive $0xFFFF  }
0x20f: {  	p0 =	sne.s32 s0, $0x0;
	s0 =	rddreg [dreg:$0x4]  }
0x210: {  	s0 =	sadd.s32 @!p0 $0x100000, s0  }
0x211: {  	[sflag:s0] =	ssyncadd.tile.s32 @!p0 $0x1;
	_ =	shalt  }
.Lfunc_end2:
_tile_overlayer_lowered:
.L_overlay_start_2:
0x212: {  	(tag) =	ssettag $0x2  }
0x213: {  	s0 =	rddreg [dreg:$0x0];
	s2 =	stileid.u32  }
0x214: {  	s1 =	rddreg [dreg:$0x1];
	p0 =	sne.s32 s2, $0x0  }
0x215: {  	s3 =	rddreg [dreg:$0x2];
	[bflag:$0x3] =	sbarrier.arrive $0xFFFF;
	s2 =	simm.s32 @!p0 $0x1C03  }
0x216: {  	[timem:s3], [sflag:s2] =	dma.local @!p0 [hbm:s0], s1  }
0x217: {  	s0 =	simm.s32 @!p0 $0x3  }
0x218: {  	_ =	swait.ge @!p0 [sflag:s0], s1  }
0x219: {  	s1 =	ssub.s32 @!p0 $0x0, s1;
	[sflag:s0] =	ssyncset.done @!p0 $0x0  }
0x21a: {  	[sflag:s0] =	ssyncadd.s32 @!p0 s1  }
0x21b: {  	[bflag:$0x3] =	sbarrier.arrive $0xFFFF  }
0x21c: {  	_ =	shalt  }

</sc_bundles>
